<compile_context>
chip_gen: v7x
topology: tpu7x:2x2x1
jax: 0.10.2.dev20260603
libtpu: 0.0.44.dev20260713+nightly
codegen_flags: <defaults>
</compile_context>

<pallas_src>
import jax
import jax.numpy as jnp
from jax import lax
from jax.experimental import pallas as pl
from jax.experimental.pallas import tpu as pltpu
from jax.experimental.pallas import tpu_sc as plsc

N, E, D, H, C, G = 10000, 320000, 128, 256, 10, 128
NC, NS = 2, 16
NW = NC * NS
K = 128
NCH = E // K
CPW = NCH // NW
NEX = NCH - CPW * NW
RPT = 640


def _edge_agg_body(x_hbm, ei_hbm, out_hbm,
                   srcb0, srcb1, srcb2, srcb3, srcb4, srcb5,
                   dstb0, dstb1, dstb2, dstb3, dstb4, dstb5,
                   rows0, rows1, rows2, acc_sh,
                   isem0, isem1, isem2, isem3, isem4, isem5,
                   gsem0, gsem1, gsem2, ssem0, ssem1, ssem2):
    c = lax.axis_index("c")
    s = lax.axis_index("s")
    wid = c * NS + s
    ch0 = wid * CPW
    roff = jnp.minimum(s * RPT, N - RPT)

    srcb = (srcb0, srcb1, srcb2, srcb3, srcb4, srcb5)
    dstb = (dstb0, dstb1, dstb2, dstb3, dstb4, dstb5)
    rows = (rows0, rows1, rows2)
    isems = (isem0, isem1, isem2, isem3, isem4, isem5)
    gsems = (gsem0, gsem1, gsem2)
    ssems = (ssem0, ssem1, ssem2)

    def idx_load(j, bi):
        off = (ch0 + j) * K
        pltpu.async_copy(ei_hbm.at[0, pl.ds(off, K)], srcb[bi], isems[bi])
        pltpu.async_copy(ei_hbm.at[1, pl.ds(off, K)], dstb[bi], isems[bi])

    def idx_wait(bi):
        pltpu.make_async_copy(ei_hbm.at[0, pl.ds(0, K)], srcb[bi],
                              isems[bi]).wait()
        pltpu.make_async_copy(ei_hbm.at[1, pl.ds(0, K)], dstb[bi],
                              isems[bi]).wait()

    def gather(bi, br):
        pltpu.async_copy(x_hbm.at[srcb[bi]], rows[br], gsems[br])

    def gather_wait(bi, br):
        pltpu.make_async_copy(x_hbm.at[srcb[bi]], rows[br],
                              gsems[br]).wait()

    def scatter(bi, br):
        pltpu.async_copy(rows[br], acc_sh.at[dstb[bi]], ssems[br], add=True)

    def scatter_wait(bi, br):
        pltpu.make_async_copy(rows[br], acc_sh.at[dstb[bi]],
                              ssems[br]).wait()

    idx_load(0, 0)
    idx_load(1, 1)
    idx_load(2, 2)

    def zrow(r, carry):
        for jj in range(8):
            rows2[r, pl.ds(16 * jj, 16)] = jnp.zeros((16,), jnp.float32)
        return carry

    lax.fori_loop(0, K, zrow, 0)
    for kk in range(RPT // K):
        pltpu.async_copy(rows2, acc_sh.at[pl.ds(roff + kk * K, K)], ssem0)
    idx_wait(0)
    gather(0, 0)
    idx_wait(1)
    gather(1, 1)
    for kk in range(RPT // K):
        pltpu.make_async_copy(rows2, acc_sh.at[pl.ds(roff, K)], ssem0).wait()
    idx_wait(2)
    gather(2, 2)
    plsc.subcore_barrier()

    def body(p, carry):
        for u in range(6):
            j = 6 * p + u
            br = u % 3
            bi = u
            brn = (u + 1) % 3
            bin_ = (u + 1) % 6

            @pl.when((j >= 2) & (j + 1 < CPW))
            def _():
                scatter_wait((u + 4) % 6, brn)
                idx_wait(bin_)
                gather(bin_, brn)

            gather_wait(bi, br)
            scatter(bi, br)

            @pl.when(j + 3 < CPW)
            def _():
                idx_load(j + 3, (u + 3) % 6)
        return carry

    lax.fori_loop(0, CPW // 6, body, 0)
    for u in range(3):
        jj = CPW - 3 + u
        scatter_wait(jj % 6, jj % 3)

    @pl.when(wid < NEX)
    def _():
        off = (NW * CPW + wid) * K
        pltpu.async_copy(ei_hbm.at[0, pl.ds(off, K)], srcb0, isem0)
        pltpu.async_copy(ei_hbm.at[1, pl.ds(off, K)], dstb0, isem0)
        idx_wait(0)
        gather(0, 0)
        gather_wait(0, 0)
        pltpu.sync_copy(rows0, acc_sh.at[dstb0], add=True)

    plsc.subcore_barrier()
    pltpu.sync_copy(acc_sh.at[pl.ds(roff, RPT)],
                    out_hbm.at[c, pl.ds(roff, RPT)])


def _edge_agg(x, ei):
    run = pl.kernel(
        _edge_agg_body,
        out_type=jax.ShapeDtypeStruct((NC, N, D), jnp.float32),
        mesh=plsc.VectorSubcoreMesh(core_axis_name="c", subcore_axis_name="s",
                                    num_cores=NC, num_subcores=NS),
        scratch_types=(
            [pltpu.VMEM((K,), jnp.int32)] * 6
            + [pltpu.VMEM((K,), jnp.int32)] * 6
            + [pltpu.VMEM((K, D), jnp.float32)] * 3
            + [pltpu.VMEM_SHARED((N, D), jnp.float32)]
            + [pltpu.SemaphoreType.DMA] * 12
        ),
    )
    return run(x, ei)


BN = 2000
NRB = N // BN
TB = 128


def _tc_body(starts_sref, eps_sm, x_ref, agg_ref, w1_ref, b1_ref, w2_ref,
             b2_ref, gam_ref, bet_ref, f1w_ref, f1b_ref, f2w_ref, f2b_ref,
             out_ref, h_ref, st_ref, rep_ref):
    i = pl.program_id(0)

    @pl.when(i < NRB)
    def _():
        eps = eps_sm[0]
        a = x_ref[...] * (1.0 + eps) + agg_ref[0] + agg_ref[1]
        t = jnp.dot(a, w1_ref[...], preferred_element_type=jnp.float32)
        t = jnp.maximum(t + b1_ref[...], 0.0)
        h = jnp.dot(t, w2_ref[...], preferred_element_type=jnp.float32)
        h = h + b2_ref[...]
        h_ref[pl.ds(i * BN, BN), :] = h

        @pl.when(i == 0)
        def _():
            st_ref[...] = jnp.zeros_like(st_ref)

        st_ref[0:1, :] += jnp.sum(h, axis=0, keepdims=True)
        st_ref[1:2, :] += jnp.sum(h * h, axis=0, keepdims=True)

    @pl.when(i == NRB)
    def _():
        ninv = jnp.float32(1.0 / N)
        mean = st_ref[0:1, :] * ninv
        var = st_ref[1:2, :] * ninv - mean * mean
        scale = gam_ref[...] * lax.rsqrt(var + 1e-5)
        shift = bet_ref[...] - mean * scale

        def graph_body(g, carry):
            rs = starts_sref[g]
            re = starts_sref[g + 1]
            cnt = re - rs
            a0 = (rs // 8) * 8
            nt = (re - a0 + (TB - 1)) // TB

            def body(t, acc):
                macc, sacc = acc
                lo = a0 + t * TB
                st = pl.multiple_of(jnp.minimum(lo, N - TB), 8)
                rows = h_ref[pl.ds(st, TB), :]
                idx = st + lax.broadcasted_iota(jnp.int32, (TB, 1), 0)
                m = (idx >= jnp.maximum(lo, rs)) & (idx < re)
                macc = jnp.maximum(
                    macc, jnp.max(jnp.where(m, rows, -jnp.inf), axis=0,
                                  keepdims=True))
                sacc = sacc + jnp.sum(jnp.where(m, rows, 0.0), axis=0,
                                      keepdims=True)
                return macc, sacc

            macc0 = jnp.full((1, H), -jnp.inf, jnp.float32)
            sacc0 = jnp.zeros((1, H), jnp.float32)
            macc, sacc = lax.fori_loop(0, nt, body, (macc0, sacc0))
            gmax = macc * scale + shift
            gmean = (sacc / jnp.maximum(cnt.astype(jnp.float32), 1.0)
                     ) * scale + shift
            rep_ref[pl.ds(g, 1), 0:H] = gmax
            rep_ref[pl.ds(g, 1), H:2 * H] = gmean
            return carry

        lax.fori_loop(0, G, graph_body, 0)
        rep = rep_ref[...]
        t = jnp.dot(rep, f1w_ref[...], preferred_element_type=jnp.float32)
        t = jnp.maximum(t + f1b_ref[...], 0.0)
        o = jnp.dot(t, f2w_ref[...], preferred_element_type=jnp.float32)
        out_ref[...] = o + f2b_ref[...]


def _tc_fused(starts, eps1, x, agg2, w1, b1r, w2, b2r, gam, bet,
              f1w, f1b, f2w, f2b):
    full = lambda i, s: (0, 0)
    rb = lambda i, s: (jnp.minimum(i, NRB - 1), 0)
    rb3 = lambda i, s: (0, jnp.minimum(i, NRB - 1), 0)
    return pl.pallas_call(
        _tc_body,
        grid_spec=pltpu.PrefetchScalarGridSpec(
            num_scalar_prefetch=1,
            grid=(NRB + 1,),
            in_specs=[
                pl.BlockSpec(memory_space=pltpu.SMEM),
                pl.BlockSpec((BN, D), rb),
                pl.BlockSpec((NC, BN, D), rb3),
                pl.BlockSpec((D, H), full),
                pl.BlockSpec((1, H), full),
                pl.BlockSpec((H, H), full),
                pl.BlockSpec((1, H), full),
                pl.BlockSpec((1, H), full),
                pl.BlockSpec((1, H), full),
                pl.BlockSpec((2 * H, H), full),
                pl.BlockSpec((1, H), full),
                pl.BlockSpec((H, C), full),
                pl.BlockSpec((1, C), full),
            ],
            out_specs=pl.BlockSpec((G, C), full),
            scratch_shapes=[
                pltpu.VMEM((N, H), jnp.float32),
                pltpu.VMEM((8, H), jnp.float32),
                pltpu.VMEM((G, 2 * H), jnp.float32),
            ],
        ),
        out_shape=jax.ShapeDtypeStruct((G, C), jnp.float32),
    )(starts, eps1, x, agg2, w1, b1r, w2, b2r, gam, bet, f1w, f1b, f2w, f2b)


def kernel(x, gin_w1, gin_b1, gin_w2, gin_b2, eps, bn_gamma, bn_beta,
           fc1_w, fc1_b, fc2_w, fc2_b, edge_index, batch):
    agg2 = _edge_agg(x, edge_index)
    starts = jnp.searchsorted(
        batch, jnp.arange(G + 1, dtype=jnp.int32)).astype(jnp.int32)
    return _tc_fused(starts, jnp.reshape(eps, (1,)), x, agg2, gin_w1,
                     jnp.reshape(gin_b1, (1, H)), gin_w2,
                     jnp.reshape(gin_b2, (1, H)),
                     jnp.reshape(bn_gamma, (1, H)),
                     jnp.reshape(bn_beta, (1, H)),
                     fc1_w, jnp.reshape(fc1_b, (1, H)),
                     fc2_w, jnp.reshape(fc2_b, (1, C)))

# --- scband reference (transcript-rebuilt; emitter-appended) ---
"""Pipeline reference for scband-pretrained-ginfor-property-prediction-18451179504223 (READ-ONLY COPY).

The authoritative reference and input builder live on the scoring server;
editing this copy changes nothing except your own understanding.
"""

import jax, jax.numpy as jnp
import numpy as np

N = 10000
E = 320000
D = 128
H = 256
C = 10
G = 128


def setup_inputs(seed: int = 0) -> dict:
    key = jax.random.key(seed)
    ks = jax.random.split(key, 12)
    x = jax.random.normal(ks[0], (N, D), dtype=jnp.float32)
    edge_index = jax.random.randint(ks[1], (2, E), 0, N, dtype=jnp.int32)
    batch = jnp.sort(jax.random.randint(ks[2], (N,), 0, G, dtype=jnp.int32))
    gin_w1 = jax.random.normal(ks[3], (D, H), dtype=jnp.float32) * (1.0 / np.sqrt(D))
    gin_b1 = jnp.zeros((H,), dtype=jnp.float32)
    gin_w2 = jax.random.normal(ks[4], (H, H), dtype=jnp.float32) * (1.0 / np.sqrt(H))
    gin_b2 = jnp.zeros((H,), dtype=jnp.float32)
    eps = jnp.zeros((), dtype=jnp.float32)
    bn_gamma = jnp.ones((H,), dtype=jnp.float32)
    bn_beta = jnp.zeros((H,), dtype=jnp.float32)
    fc1_w = jax.random.normal(ks[5], (2 * H, H), dtype=jnp.float32) * (1.0 / np.sqrt(2 * H))
    fc1_b = jnp.zeros((H,), dtype=jnp.float32)
    fc2_w = jax.random.normal(ks[6], (H, C), dtype=jnp.float32) * (1.0 / np.sqrt(H))
    fc2_b = jnp.zeros((C,), dtype=jnp.float32)
    return {
        'x': x, 'gin_w1': gin_w1, 'gin_b1': gin_b1, 'gin_w2': gin_w2, 'gin_b2': gin_b2,
        'eps': eps, 'bn_gamma': bn_gamma, 'bn_beta': bn_beta,
        'fc1_w': fc1_w, 'fc1_b': fc1_b, 'fc2_w': fc2_w, 'fc2_b': fc2_b,
        'edge_index': edge_index, 'batch': batch,
    }


def reference(x, gin_w1, gin_b1, gin_w2, gin_b2, eps, bn_gamma, bn_beta,
              fc1_w, fc1_b, fc2_w, fc2_b, edge_index, batch):
    src = edge_index[0]
    dst = edge_index[1]
    # GIN conv: h_i = MLP((1+eps)*x_i + sum_{j in N(i)} x_j)
    agg = jax.ops.segment_sum(x[src], dst, num_segments=N)
    h = (1.0 + eps) * x + agg
    h = jax.nn.relu(h @ gin_w1 + gin_b1) @ gin_w2 + gin_b2
    # BatchNorm1d (training-mode batch statistics)
    mean = jnp.mean(h, axis=0)
    var = jnp.var(h, axis=0)
    hn = (h - mean) / jnp.sqrt(var + 1e-5) * bn_gamma + bn_beta
    # global max pool + global mean pool per graph
    gmax = jax.ops.segment_max(hn, batch, num_segments=G)
    gsum = jax.ops.segment_sum(hn, batch, num_segments=G)
    cnt = jax.ops.segment_sum(jnp.ones((N, 1), dtype=jnp.float32), batch, num_segments=G)
    gmean = gsum / jnp.maximum(cnt, 1.0)
    rep = jnp.concatenate([gmax, gmean], axis=1)
    out = jax.nn.relu(rep @ fc1_w + fc1_b) @ fc2_w + fc2_b
    return out

if __name__ == "__main__":
    import jax
    _d = setup_inputs()
    print(jax.jit(kernel)(*tuple(_d.values())))

</pallas_src>

<mosaic_0001>
#map = affine_map<(d0, d1) -> (0, 0)>
#map1 = affine_map<(d0, d1) -> (0, 0, 0)>
module attributes {stable_mosaic.version = 14 : i64} {
  func.func @_edge_agg_body(%arg0: i32, %arg1: i32, %arg2: memref<10000x128xf32, #tpu.memory_space<hbm>>, %arg3: memref<2x320000xi32, #tpu.memory_space<hbm>>, %arg4: memref<2x10000x128xf32, #tpu.memory_space<hbm>>, %arg5: memref<128xi32, #tpu.memory_space<vmem>>, %arg6: memref<128xi32, #tpu.memory_space<vmem>>, %arg7: memref<128xi32, #tpu.memory_space<vmem>>, %arg8: memref<128xi32, #tpu.memory_space<vmem>>, %arg9: memref<128xi32, #tpu.memory_space<vmem>>, %arg10: memref<128xi32, #tpu.memory_space<vmem>>, %arg11: memref<128xi32, #tpu.memory_space<vmem>>, %arg12: memref<128xi32, #tpu.memory_space<vmem>>, %arg13: memref<128xi32, #tpu.memory_space<vmem>>, %arg14: memref<128xi32, #tpu.memory_space<vmem>>, %arg15: memref<128xi32, #tpu.memory_space<vmem>>, %arg16: memref<128xi32, #tpu.memory_space<vmem>>, %arg17: memref<128x128xf32, #tpu.memory_space<vmem>>, %arg18: memref<128x128xf32, #tpu.memory_space<vmem>>, %arg19: memref<128x128xf32, #tpu.memory_space<vmem>>, %arg20: memref<10000x128xf32, #tpu.memory_space<vmem_shared>>, %arg21: memref<!tpu.dma_semaphore, #tpu.memory_space<semaphore_mem>>, %arg22: memref<!tpu.dma_semaphore, #tpu.memory_space<semaphore_mem>>, %arg23: memref<!tpu.dma_semaphore, #tpu.memory_space<semaphore_mem>>, %arg24: memref<!tpu.dma_semaphore, #tpu.memory_space<semaphore_mem>>, %arg25: memref<!tpu.dma_semaphore, #tpu.memory_space<semaphore_mem>>, %arg26: memref<!tpu.dma_semaphore, #tpu.memory_space<semaphore_mem>>, %arg27: memref<!tpu.dma_semaphore, #tpu.memory_space<semaphore_mem>>, %arg28: memref<!tpu.dma_semaphore, #tpu.memory_space<semaphore_mem>>, %arg29: memref<!tpu.dma_semaphore, #tpu.memory_space<semaphore_mem>>, %arg30: memref<!tpu.dma_semaphore, #tpu.memory_space<semaphore_mem>>, %arg31: memref<!tpu.dma_semaphore, #tpu.memory_space<semaphore_mem>>, %arg32: memref<!tpu.dma_semaphore, #tpu.memory_space<semaphore_mem>>) attributes {dimension_semantics = [#tpu.dimension_semantics<core_parallel>, #tpu.dimension_semantics<subcore_parallel>], iteration_bounds = array<i64: 2, 16>, scalar_prefetch = 0 : i64, scratch_operands = 28 : i64, tpu.core_type = #tpu.core_type<sc_vector_subcore>, window_params = [{transform_indices = #map}, {transform_indices = #map}, {transform_indices = #map1}]} {
    %mul3A = arith.constant 16 : i32
    %mul3A_0 = arith.muli %arg0, %mul3A : i32
    %add3A = arith.addi %mul3A_0, %arg1 : i32
    %mul3A_1 = arith.constant 78 : i32
    %mul3A_2 = arith.muli %add3A, %mul3A_1 : i32
    %mul3A_3 = arith.constant 640 : i32
    %mul3A_4 = arith.muli %arg1, %mul3A_3 : i32
    %min3A = arith.constant 9360 : i32
    %min3A_5 = arith.minsi %mul3A_4, %min3A : i32
    %add3A_6 = arith.constant 0 : i32
    %add3A_7 = arith.addi %mul3A_2, %add3A_6 : i32
    %mul3A_8 = arith.constant 128 : i32
    %mul3A_9 = arith.muli %add3A_7, %mul3A_8 : i32
    %dma_start3A = arith.constant 0 : i32
    %dma_start3A_10 = tpu.memref_slice %arg3[%dma_start3A, %mul3A_9] : memref<2x320000xi32, #tpu.memory_space<hbm>> -> memref<1x128xi32, #tpu.memory_space<hbm>>
    %dma_start3A_11 = tpu.memref_squeeze %dma_start3A_10 : memref<1x128xi32, #tpu.memory_space<hbm>> -> memref<128xi32, #tpu.memory_space<hbm>>
    %dma_start3A_12 = tpu.memref_slice %arg3[%dma_start3A, %mul3A_9] : memref<2x320000xi32, #tpu.memory_space<hbm>> -> memref<1x128xi32, #tpu.memory_space<hbm>>
    %dma_start3A_13 = tpu.memref_squeeze %dma_start3A_12 : memref<1x128xi32, #tpu.memory_space<hbm>> -> memref<128xi32, #tpu.memory_space<hbm>>
    tpu.enqueue_dma source(%dma_start3A_13 : memref<128xi32, #tpu.memory_space<hbm>>) target(%arg5 : memref<128xi32, #tpu.memory_space<vmem>>) target_semaphore(%arg21 : memref<!tpu.dma_semaphore, #tpu.memory_space<semaphore_mem>>)
    %dma_start3A_14 = arith.constant 1 : i32
    %dma_start3A_15 = tpu.memref_slice %arg3[%dma_start3A_14, %mul3A_9] : memref<2x320000xi32, #tpu.memory_space<hbm>> -> memref<1x128xi32, #tpu.memory_space<hbm>>
    %dma_start3A_16 = tpu.memref_squeeze %dma_start3A_15 : memref<1x128xi32, #tpu.memory_space<hbm>> -> memref<128xi32, #tpu.memory_space<hbm>>
    %dma_start3A_17 = tpu.memref_slice %arg3[%dma_start3A_14, %mul3A_9] : memref<2x320000xi32, #tpu.memory_space<hbm>> -> memref<1x128xi32, #tpu.memory_space<hbm>>
    %dma_start3A_18 = tpu.memref_squeeze %dma_start3A_17 : memref<1x128xi32, #tpu.memory_space<hbm>> -> memref<128xi32, #tpu.memory_space<hbm>>
    tpu.enqueue_dma source(%dma_start3A_18 : memref<128xi32, #tpu.memory_space<hbm>>) target(%arg11 : memref<128xi32, #tpu.memory_space<vmem>>) target_semaphore(%arg21 : memref<!tpu.dma_semaphore, #tpu.memory_space<semaphore_mem>>)
    %add3A_19 = arith.constant 1 : i32
    %add3A_20 = arith.addi %mul3A_2, %add3A_19 : i32
    %mul3A_21 = arith.constant 128 : i32
    %mul3A_22 = arith.muli %add3A_20, %mul3A_21 : i32
    %dma_start3A_23 = arith.constant 0 : i32
    %dma_start3A_24 = tpu.memref_slice %arg3[%dma_start3A_23, %mul3A_22] : memref<2x320000xi32, #tpu.memory_space<hbm>> -> memref<1x128xi32, #tpu.memory_space<hbm>>
    %dma_start3A_25 = tpu.memref_squeeze %dma_start3A_24 : memref<1x128xi32, #tpu.memory_space<hbm>> -> memref<128xi32, #tpu.memory_space<hbm>>
    %dma_start3A_26 = tpu.memref_slice %arg3[%dma_start3A_23, %mul3A_22] : memref<2x320000xi32, #tpu.memory_space<hbm>> -> memref<1x128xi32, #tpu.memory_space<hbm>>
    %dma_start3A_27 = tpu.memref_squeeze %dma_start3A_26 : memref<1x128xi32, #tpu.memory_space<hbm>> -> memref<128xi32, #tpu.memory_space<hbm>>
    tpu.enqueue_dma source(%dma_start3A_27 : memref<128xi32, #tpu.memory_space<hbm>>) target(%arg6 : memref<128xi32, #tpu.memory_space<vmem>>) target_semaphore(%arg22 : memref<!tpu.dma_semaphore, #tpu.memory_space<semaphore_mem>>)
    %dma_start3A_28 = arith.constant 1 : i32
    %dma_start3A_29 = tpu.memref_slice %arg3[%dma_start3A_28, %mul3A_22] : memref<2x320000xi32, #tpu.memory_space<hbm>> -> memref<1x128xi32, #tpu.memory_space<hbm>>
    %dma_start3A_30 = tpu.memref_squeeze %dma_start3A_29 : memref<1x128xi32, #tpu.memory_space<hbm>> -> memref<128xi32, #tpu.memory_space<hbm>>
    %dma_start3A_31 = tpu.memref_slice %arg3[%dma_start3A_28, %mul3A_22] : memref<2x320000xi32, #tpu.memory_space<hbm>> -> memref<1x128xi32, #tpu.memory_space<hbm>>
    %dma_start3A_32 = tpu.memref_squeeze %dma_start3A_31 : memref<1x128xi32, #tpu.memory_space<hbm>> -> memref<128xi32, #tpu.memory_space<hbm>>
    tpu.enqueue_dma source(%dma_start3A_32 : memref<128xi32, #tpu.memory_space<hbm>>) target(%arg12 : memref<128xi32, #tpu.memory_space<vmem>>) target_semaphore(%arg22 : memref<!tpu.dma_semaphore, #tpu.memory_space<semaphore_mem>>)
    %add3A_33 = arith.constant 2 : i32
    %add3A_34 = arith.addi %mul3A_2, %add3A_33 : i32
    %mul3A_35 = arith.constant 128 : i32
    %mul3A_36 = arith.muli %add3A_34, %mul3A_35 : i32
    %dma_start3A_37 = arith.constant 0 : i32
    %dma_start3A_38 = tpu.memref_slice %arg3[%dma_start3A_37, %mul3A_36] : memref<2x320000xi32, #tpu.memory_space<hbm>> -> memref<1x128xi32, #tpu.memory_space<hbm>>
    %dma_start3A_39 = tpu.memref_squeeze %dma_start3A_38 : memref<1x128xi32, #tpu.memory_space<hbm>> -> memref<128xi32, #tpu.memory_space<hbm>>
    %dma_start3A_40 = tpu.memref_slice %arg3[%dma_start3A_37, %mul3A_36] : memref<2x320000xi32, #tpu.memory_space<hbm>> -> memref<1x128xi32, #tpu.memory_space<hbm>>
    %dma_start3A_41 = tpu.memref_squeeze %dma_start3A_40 : memref<1x128xi32, #tpu.memory_space<hbm>> -> memref<128xi32, #tpu.memory_space<hbm>>
    tpu.enqueue_dma source(%dma_start3A_41 : memref<128xi32, #tpu.memory_space<hbm>>) target(%arg7 : memref<128xi32, #tpu.memory_space<vmem>>) target_semaphore(%arg23 : memref<!tpu.dma_semaphore, #tpu.memory_space<semaphore_mem>>)
    %dma_start3A_42 = arith.constant 1 : i32
    %dma_start3A_43 = tpu.memref_slice %arg3[%dma_start3A_42, %mul3A_36] : memref<2x320000xi32, #tpu.memory_space<hbm>> -> memref<1x128xi32, #tpu.memory_space<hbm>>
    %dma_start3A_44 = tpu.memref_squeeze %dma_start3A_43 : memref<1x128xi32, #tpu.memory_space<hbm>> -> memref<128xi32, #tpu.memory_space<hbm>>
    %dma_start3A_45 = tpu.memref_slice %arg3[%dma_start3A_42, %mul3A_36] : memref<2x320000xi32, #tpu.memory_space<hbm>> -> memref<1x128xi32, #tpu.memory_space<hbm>>
    %dma_start3A_46 = tpu.memref_squeeze %dma_start3A_45 : memref<1x128xi32, #tpu.memory_space<hbm>> -> memref<128xi32, #tpu.memory_space<hbm>>
    tpu.enqueue_dma source(%dma_start3A_46 : memref<128xi32, #tpu.memory_space<hbm>>) target(%arg13 : memref<128xi32, #tpu.memory_space<vmem>>) target_semaphore(%arg23 : memref<!tpu.dma_semaphore, #tpu.memory_space<semaphore_mem>>)
    %scan3A = arith.constant 0 : i32
    %scan3A_47 = arith.constant 0 : i32
    %scan3A_48 = arith.constant 128 : i32
    %scan3A_49 = arith.addi %scan3A_47, %scan3A_48 : i32
    %scan3A_50 = arith.constant 1 : i32
    scf.for %scan3A_170 = %scan3A_47 to %scan3A_49 step %scan3A_50  : i32 {
      %broadcast_in_dim3A = arith.constant 0.000000e+00 : f32
      %broadcast_in_dim3A_171 = vector.broadcast %broadcast_in_dim3A : f32 to vector<16xf32>
      %swap3A = arith.index_cast %scan3A_170 : i32 to index
      %swap3A_172 = arith.constant 0 : index
      %swap3A_173 = tpu.vector_load %arg19[%swap3A, %swap3A_172] {strides = array<i32>} : memref<128x128xf32, #tpu.memory_space<vmem>>, vector<1x16xf32>,
      %swap3A_174 = vector.shape_cast %swap3A_173 : vector<1x16xf32> to vector<16xf32>
      %swap3A_175 = vector.shape_cast %broadcast_in_dim3A_171 : vector<16xf32> to vector<1x16xf32>
      tpu.vector_store %arg19[%swap3A, %swap3A_172], %swap3A_175 {strides = array<i32>} : memref<128x128xf32, #tpu.memory_space<vmem>>, vector<1x16xf32>,
      %broadcast_in_dim3A_176 = arith.constant 0.000000e+00 : f32
      %broadcast_in_dim3A_177 = vector.broadcast %broadcast_in_dim3A_176 : f32 to vector<16xf32>
      %swap3A_178 = arith.index_cast %scan3A_170 : i32 to index
      %swap3A_179 = arith.constant 16 : index
      %swap3A_180 = tpu.vector_load %arg19[%swap3A_178, %swap3A_179] {strides = array<i32>} : memref<128x128xf32, #tpu.memory_space<vmem>>, vector<1x16xf32>,
      %swap3A_181 = vector.shape_cast %swap3A_180 : vector<1x16xf32> to vector<16xf32>
      %swap3A_182 = vector.shape_cast %broadcast_in_dim3A_177 : vector<16xf32> to vector<1x16xf32>
      tpu.vector_store %arg19[%swap3A_178, %swap3A_179], %swap3A_182 {strides = array<i32>} : memref<128x128xf32, #tpu.memory_space<vmem>>, vector<1x16xf32>,
      %broadcast_in_dim3A_183 = arith.constant 0.000000e+00 : f32
      %broadcast_in_dim3A_184 = vector.broadcast %broadcast_in_dim3A_183 : f32 to vector<16xf32>
      %swap3A_185 = arith.index_cast %scan3A_170 : i32 to index
      %swap3A_186 = arith.constant 32 : index
      %swap3A_187 = tpu.vector_load %arg19[%swap3A_185, %swap3A_186] {strides = array<i32>} : memref<128x128xf32, #tpu.memory_space<vmem>>, vector<1x16xf32>,
      %swap3A_188 = vector.shape_cast %swap3A_187 : vector<1x16xf32> to vector<16xf32>
      %swap3A_189 = vector.shape_cast %broadcast_in_dim3A_184 : vector<16xf32> to vector<1x16xf32>
      tpu.vector_store %arg19[%swap3A_185, %swap3A_186], %swap3A_189 {strides = array<i32>} : memref<128x128xf32, #tpu.memory_space<vmem>>, vector<1x16xf32>,
      %broadcast_in_dim3A_190 = arith.constant 0.000000e+00 : f32
      %broadcast_in_dim3A_191 = vector.broadcast %broadcast_in_dim3A_190 : f32 to vector<16xf32>
      %swap3A_192 = arith.index_cast %scan3A_170 : i32 to index
      %swap3A_193 = arith.constant 48 : index
      %swap3A_194 = tpu.vector_load %arg19[%swap3A_192, %swap3A_193] {strides = array<i32>} : memref<128x128xf32, #tpu.memory_space<vmem>>, vector<1x16xf32>,
      %swap3A_195 = vector.shape_cast %swap3A_194 : vector<1x16xf32> to vector<16xf32>
      %swap3A_196 = vector.shape_cast %broadcast_in_dim3A_191 : vector<16xf32> to vector<1x16xf32>
      tpu.vector_store %arg19[%swap3A_192, %swap3A_193], %swap3A_196 {strides = array<i32>} : memref<128x128xf32, #tpu.memory_space<vmem>>, vector<1x16xf32>,
      %broadcast_in_dim3A_197 = arith.constant 0.000000e+00 : f32
      %broadcast_in_dim3A_198 = vector.broadcast %broadcast_in_dim3A_197 : f32 to vector<16xf32>
      %swap3A_199 = arith.index_cast %scan3A_170 : i32 to index
      %swap3A_200 = arith.constant 64 : index
      %swap3A_201 = tpu.vector_load %arg19[%swap3A_199, %swap3A_200] {strides = array<i32>} : memref<128x128xf32, #tpu.memory_space<vmem>>, vector<1x16xf32>,
      %swap3A_202 = vector.shape_cast %swap3A_201 : vector<1x16xf32> to vector<16xf32>
      %swap3A_203 = vector.shape_cast %broadcast_in_dim3A_198 : vector<16xf32> to vector<1x16xf32>
      tpu.vector_store %arg19[%swap3A_199, %swap3A_200], %swap3A_203 {strides = array<i32>} : memref<128x128xf32, #tpu.memory_space<vmem>>, vector<1x16xf32>,
      %broadcast_in_dim3A_204 = arith.constant 0.000000e+00 : f32
      %broadcast_in_dim3A_205 = vector.broadcast %broadcast_in_dim3A_204 : f32 to vector<16xf32>
      %swap3A_206 = arith.index_cast %scan3A_170 : i32 to index
      %swap3A_207 = arith.constant 80 : index
      %swap3A_208 = tpu.vector_load %arg19[%swap3A_206, %swap3A_207] {strides = array<i32>} : memref<128x128xf32, #tpu.memory_space<vmem>>, vector<1x16xf32>,
      %swap3A_209 = vector.shape_cast %swap3A_208 : vector<1x16xf32> to vector<16xf32>
      %swap3A_210 = vector.shape_cast %broadcast_in_dim3A_205 : vector<16xf32> to vector<1x16xf32>
      tpu.vector_store %arg19[%swap3A_206, %swap3A_207], %swap3A_210 {strides = array<i32>} : memref<128x128xf32, #tpu.memory_space<vmem>>, vector<1x16xf32>,
      %broadcast_in_dim3A_211 = arith.constant 0.000000e+00 : f32
      %broadcast_in_dim3A_212 = vector.broadcast %broadcast_in_dim3A_211 : f32 to vector<16xf32>
      %swap3A_213 = arith.index_cast %scan3A_170 : i32 to index
      %swap3A_214 = arith.constant 96 : index
      %swap3A_215 = tpu.vector_load %arg19[%swap3A_213, %swap3A_214] {strides = array<i32>} : memref<128x128xf32, #tpu.memory_space<vmem>>, vector<1x16xf32>,
      %swap3A_216 = vector.shape_cast %swap3A_215 : vector<1x16xf32> to vector<16xf32>
      %swap3A_217 = vector.shape_cast %broadcast_in_dim3A_212 : vector<16xf32> to vector<1x16xf32>
      tpu.vector_store %arg19[%swap3A_213, %swap3A_214], %swap3A_217 {strides = array<i32>} : memref<128x128xf32, #tpu.memory_space<vmem>>, vector<1x16xf32>,
      %broadcast_in_dim3A_218 = arith.constant 0.000000e+00 : f32
      %broadcast_in_dim3A_219 = vector.broadcast %broadcast_in_dim3A_218 : f32 to vector<16xf32>
      %swap3A_220 = arith.index_cast %scan3A_170 : i32 to index
      %swap3A_221 = arith.constant 112 : index
      %swap3A_222 = tpu.vector_load %arg19[%swap3A_220, %swap3A_221] {strides = array<i32>} : memref<128x128xf32, #tpu.memory_space<vmem>>, vector<1x16xf32>,
      %swap3A_223 = vector.shape_cast %swap3A_222 : vector<1x16xf32> to vector<16xf32>
      %swap3A_224 = vector.shape_cast %broadcast_in_dim3A_219 : vector<16xf32> to vector<1x16xf32>
      tpu.vector_store %arg19[%swap3A_220, %swap3A_221], %swap3A_224 {strides = array<i32>} : memref<128x128xf32, #tpu.memory_space<vmem>>, vector<1x16xf32>,
    }
    %scan3A_51 = arith.constant 128 : i32
    %add3A_52 = arith.constant 0 : i32
    %add3A_53 = arith.addi %min3A_5, %add3A_52 : i32
    %dma_start3A_54 = arith.constant 0 : i32
    %dma_start3A_55 = tpu.memref_slice %arg20[%add3A_53, %dma_start3A_54] : memref<10000x128xf32, #tpu.memory_space<vmem_shared>> -> memref<128x128xf32, #tpu.memory_space<vmem_shared>>
    %dma_start3A_56 = arith.constant 0 : i32
    %dma_start3A_57 = tpu.memref_slice %arg20[%add3A_53, %dma_start3A_56] : memref<10000x128xf32, #tpu.memory_space<vmem_shared>> -> memref<128x128xf32, #tpu.memory_space<vmem_shared>>
    tpu.enqueue_dma source(%arg19 : memref<128x128xf32, #tpu.memory_space<vmem>>) target(%dma_start3A_57 : memref<128x128xf32, #tpu.memory_space<vmem_shared>>) target_semaphore(%arg30 : memref<!tpu.dma_semaphore, #tpu.memory_space<semaphore_mem>>)
    %add3A_58 = arith.constant 128 : i32
    %add3A_59 = arith.addi %min3A_5, %add3A_58 : i32
    %dma_start3A_60 = arith.constant 0 : i32
    %dma_start3A_61 = tpu.memref_slice %arg20[%add3A_59, %dma_start3A_60] : memref<10000x128xf32, #tpu.memory_space<vmem_shared>> -> memref<128x128xf32, #tpu.memory_space<vmem_shared>>
    %dma_start3A_62 = arith.constant 0 : i32
    %dma_start3A_63 = tpu.memref_slice %arg20[%add3A_59, %dma_start3A_62] : memref<10000x128xf32, #tpu.memory_space<vmem_shared>> -> memref<128x128xf32, #tpu.memory_space<vmem_shared>>
    tpu.enqueue_dma source(%arg19 : memref<128x128xf32, #tpu.memory_space<vmem>>) target(%dma_start3A_63 : memref<128x128xf32, #tpu.memory_space<vmem_shared>>) target_semaphore(%arg30 : memref<!tpu.dma_semaphore, #tpu.memory_space<semaphore_mem>>)
    %add3A_64 = arith.constant 256 : i32
    %add3A_65 = arith.addi %min3A_5, %add3A_64 : i32
    %dma_start3A_66 = arith.constant 0 : i32
    %dma_start3A_67 = tpu.memref_slice %arg20[%add3A_65, %dma_start3A_66] : memref<10000x128xf32, #tpu.memory_space<vmem_shared>> -> memref<128x128xf32, #tpu.memory_space<vmem_shared>>
    %dma_start3A_68 = arith.constant 0 : i32
    %dma_start3A_69 = tpu.memref_slice %arg20[%add3A_65, %dma_start3A_68] : memref<10000x128xf32, #tpu.memory_space<vmem_shared>> -> memref<128x128xf32, #tpu.memory_space<vmem_shared>>
    tpu.enqueue_dma source(%arg19 : memref<128x128xf32, #tpu.memory_space<vmem>>) target(%dma_start3A_69 : memref<128x128xf32, #tpu.memory_space<vmem_shared>>) target_semaphore(%arg30 : memref<!tpu.dma_semaphore, #tpu.memory_space<semaphore_mem>>)
    %add3A_70 = arith.constant 384 : i32
    %add3A_71 = arith.addi %min3A_5, %add3A_70 : i32
    %dma_start3A_72 = arith.constant 0 : i32
    %dma_start3A_73 = tpu.memref_slice %arg20[%add3A_71, %dma_start3A_72] : memref<10000x128xf32, #tpu.memory_space<vmem_shared>> -> memref<128x128xf32, #tpu.memory_space<vmem_shared>>
    %dma_start3A_74 = arith.constant 0 : i32
    %dma_start3A_75 = tpu.memref_slice %arg20[%add3A_71, %dma_start3A_74] : memref<10000x128xf32, #tpu.memory_space<vmem_shared>> -> memref<128x128xf32, #tpu.memory_space<vmem_shared>>
    tpu.enqueue_dma source(%arg19 : memref<128x128xf32, #tpu.memory_space<vmem>>) target(%dma_start3A_75 : memref<128x128xf32, #tpu.memory_space<vmem_shared>>) target_semaphore(%arg30 : memref<!tpu.dma_semaphore, #tpu.memory_space<semaphore_mem>>)
    %add3A_76 = arith.constant 512 : i32
    %add3A_77 = arith.addi %min3A_5, %add3A_76 : i32
    %dma_start3A_78 = arith.constant 0 : i32
    %dma_start3A_79 = tpu.memref_slice %arg20[%add3A_77, %dma_start3A_78] : memref<10000x128xf32, #tpu.memory_space<vmem_shared>> -> memref<128x128xf32, #tpu.memory_space<vmem_shared>>
    %dma_start3A_80 = arith.constant 0 : i32
    %dma_start3A_81 = tpu.memref_slice %arg20[%add3A_77, %dma_start3A_80] : memref<10000x128xf32, #tpu.memory_space<vmem_shared>> -> memref<128x128xf32, #tpu.memory_space<vmem_shared>>
    tpu.enqueue_dma source(%arg19 : memref<128x128xf32, #tpu.memory_space<vmem>>) target(%dma_start3A_81 : memref<128x128xf32, #tpu.memory_space<vmem_shared>>) target_semaphore(%arg30 : memref<!tpu.dma_semaphore, #tpu.memory_space<semaphore_mem>>)
    %dma_wait3A = arith.constant 0 : i32
    %dma_wait3A_82 = arith.constant 0 : i32
    %dma_wait3A_83 = tpu.memref_slice %arg3[%dma_wait3A, %dma_wait3A_82] : memref<2x320000xi32, #tpu.memory_space<hbm>> -> memref<1x128xi32, #tpu.memory_space<hbm>>
    %dma_wait3A_84 = tpu.memref_squeeze %dma_wait3A_83 : memref<1x128xi32, #tpu.memory_space<hbm>> -> memref<128xi32, #tpu.memory_space<hbm>>
    %dma_wait3A_85 = arith.constant 0 : i32
    %dma_wait3A_86 = tpu.memref_slice %arg3[%dma_wait3A, %dma_wait3A_85] : memref<2x320000xi32, #tpu.memory_space<hbm>> -> memref<1x128xi32, #tpu.memory_space<hbm>>
    %dma_wait3A_87 = tpu.memref_squeeze %dma_wait3A_86 : memref<1x128xi32, #tpu.memory_space<hbm>> -> memref<128xi32, #tpu.memory_space<hbm>>
    tpu.wait_dma2 semaphore(%arg21 : memref<!tpu.dma_semaphore, #tpu.memory_space<semaphore_mem>>) src(%dma_wait3A_87 : memref<128xi32, #tpu.memory_space<hbm>>) dst(%arg5 : memref<128xi32, #tpu.memory_space<vmem>>)
    %dma_wait3A_88 = arith.constant 1 : i32
    %dma_wait3A_89 = arith.constant 0 : i32
    %dma_wait3A_90 = tpu.memref_slice %arg3[%dma_wait3A_88, %dma_wait3A_89] : memref<2x320000xi32, #tpu.memory_space<hbm>> -> memref<1x128xi32, #tpu.memory_space<hbm>>
    %dma_wait3A_91 = tpu.memref_squeeze %dma_wait3A_90 : memref<1x128xi32, #tpu.memory_space<hbm>> -> memref<128xi32, #tpu.memory_space<hbm>>
    %dma_wait3A_92 = arith.constant 0 : i32
    %dma_wait3A_93 = tpu.memref_slice %arg3[%dma_wait3A_88, %dma_wait3A_92] : memref<2x320000xi32, #tpu.memory_space<hbm>> -> memref<1x128xi32, #tpu.memory_space<hbm>>
    %dma_wait3A_94 = tpu.memref_squeeze %dma_wait3A_93 : memref<1x128xi32, #tpu.memory_space<hbm>> -> memref<128xi32, #tpu.memory_space<hbm>>
    tpu.wait_dma2 semaphore(%arg21 : memref<!tpu.dma_semaphore, #tpu.memory_space<semaphore_mem>>) src(%dma_wait3A_94 : memref<128xi32, #tpu.memory_space<hbm>>) dst(%arg11 : memref<128xi32, #tpu.memory_space<vmem>>)
    %dma_start3A_95 = arith.constant 0 : i32
    %dma_start3A_96 = arith.constant 0 : i32
    %dma_start3A_97 = tpu.memref_slice %arg2[%dma_start3A_95, %dma_start3A_96] : memref<10000x128xf32, #tpu.memory_space<hbm>> -> memref<10000x128xf32, #tpu.memory_space<hbm>>
    tpu.enqueue_indirect_dma source(%dma_start3A_97 : memref<10000x128xf32, #tpu.memory_space<hbm>>) target(%arg17 : memref<128x128xf32, #tpu.memory_space<vmem>>) offsets(%arg5 : memref<128xi32, #tpu.memory_space<vmem>>) semaphore(%arg27 : memref<!tpu.dma_semaphore, #tpu.memory_space<semaphore_mem>>)
    %dma_wait3A_98 = arith.constant 0 : i32
    %dma_wait3A_99 = arith.constant 0 : i32
    %dma_wait3A_100 = tpu.memref_slice %arg3[%dma_wait3A_98, %dma_wait3A_99] : memref<2x320000xi32, #tpu.memory_space<hbm>> -> memref<1x128xi32, #tpu.memory_space<hbm>>
    %dma_wait3A_101 = tpu.memref_squeeze %dma_wait3A_100 : memref<1x128xi32, #tpu.memory_space<hbm>> -> memref<128xi32, #tpu.memory_space<hbm>>
    %dma_wait3A_102 = arith.constant 0 : i32
    %dma_wait3A_103 = tpu.memref_slice %arg3[%dma_wait3A_98, %dma_wait3A_102] : memref<2x320000xi32, #tpu.memory_space<hbm>> -> memref<1x128xi32, #tpu.memory_space<hbm>>
    %dma_wait3A_104 = tpu.memref_squeeze %dma_wait3A_103 : memref<1x128xi32, #tpu.memory_space<hbm>> -> memref<128xi32, #tpu.memory_space<hbm>>
    tpu.wait_dma2 semaphore(%arg22 : memref<!tpu.dma_semaphore, #tpu.memory_space<semaphore_mem>>) src(%dma_wait3A_104 : memref<128xi32, #tpu.memory_space<hbm>>) dst(%arg6 : memref<128xi32, #tpu.memory_space<vmem>>)
    %dma_wait3A_105 = arith.constant 1 : i32
    %dma_wait3A_106 = arith.constant 0 : i32
    %dma_wait3A_107 = tpu.memref_slice %arg3[%dma_wait3A_105, %dma_wait3A_106] : memref<2x320000xi32, #tpu.memory_space<hbm>> -> memref<1x128xi32, #tpu.memory_space<hbm>>
    %dma_wait3A_108 = tpu.memref_squeeze %dma_wait3A_107 : memref<1x128xi32, #tpu.memory_space<hbm>> -> memref<128xi32, #tpu.memory_space<hbm>>
    %dma_wait3A_109 = arith.constant 0 : i32
    %dma_wait3A_110 = tpu.memref_slice %arg3[%dma_wait3A_105, %dma_wait3A_109] : memref<2x320000xi32, #tpu.memory_space<hbm>> -> memref<1x128xi32, #tpu.memory_space<hbm>>
    %dma_wait3A_111 = tpu.memref_squeeze %dma_wait3A_110 : memref<1x128xi32, #tpu.memory_space<hbm>> -> memref<128xi32, #tpu.memory_space<hbm>>
    tpu.wait_dma2 semaphore(%arg22 : memref<!tpu.dma_semaphore, #tpu.memory_space<semaphore_mem>>) src(%dma_wait3A_111 : memref<128xi32, #tpu.memory_space<hbm>>) dst(%arg12 : memref<128xi32, #tpu.memory_space<vmem>>)
    %dma_start3A_112 = arith.constant 0 : i32
    %dma_start3A_113 = arith.constant 0 : i32
    %dma_start3A_114 = tpu.memref_slice %arg2[%dma_start3A_112, %dma_start3A_113] : memref<10000x128xf32, #tpu.memory_space<hbm>> -> memref<10000x128xf32, #tpu.memory_space<hbm>>
    tpu.enqueue_indirect_dma source(%dma_start3A_114 : memref<10000x128xf32, #tpu.memory_space<hbm>>) target(%arg18 : memref<128x128xf32, #tpu.memory_space<vmem>>) offsets(%arg6 : memref<128xi32, #tpu.memory_space<vmem>>) semaphore(%arg28 : memref<!tpu.dma_semaphore, #tpu.memory_space<semaphore_mem>>)
    %dma_wait3A_115 = arith.constant 0 : i32
    %dma_wait3A_116 = tpu.memref_slice %arg20[%min3A_5, %dma_wait3A_115] : memref<10000x128xf32, #tpu.memory_space<vmem_shared>> -> memref<128x128xf32, #tpu.memory_space<vmem_shared>>
    %dma_wait3A_117 = arith.constant 0 : i32
    %dma_wait3A_118 = tpu.memref_slice %arg20[%min3A_5, %dma_wait3A_117] : memref<10000x128xf32, #tpu.memory_space<vmem_shared>> -> memref<128x128xf32, #tpu.memory_space<vmem_shared>>
    tpu.wait_dma2 semaphore(%arg30 : memref<!tpu.dma_semaphore, #tpu.memory_space<semaphore_mem>>) src(%arg19 : memref<128x128xf32, #tpu.memory_space<vmem>>) dst(%dma_wait3A_118 : memref<128x128xf32, #tpu.memory_space<vmem_shared>>)
    %dma_wait3A_119 = arith.constant 0 : i32
    %dma_wait3A_120 = tpu.memref_slice %arg20[%min3A_5, %dma_wait3A_119] : memref<10000x128xf32, #tpu.memory_space<vmem_shared>> -> memref<128x128xf32, #tpu.memory_space<vmem_shared>>
    %dma_wait3A_121 = arith.constant 0 : i32
    %dma_wait3A_122 = tpu.memref_slice %arg20[%min3A_5, %dma_wait3A_121] : memref<10000x128xf32, #tpu.memory_space<vmem_shared>> -> memref<128x128xf32, #tpu.memory_space<vmem_shared>>
    tpu.wait_dma2 semaphore(%arg30 : memref<!tpu.dma_semaphore, #tpu.memory_space<semaphore_mem>>) src(%arg19 : memref<128x128xf32, #tpu.memory_space<vmem>>) dst(%dma_wait3A_122 : memref<128x128xf32, #tpu.memory_space<vmem_shared>>)
    %dma_wait3A_123 = arith.constant 0 : i32
    %dma_wait3A_124 = tpu.memref_slice %arg20[%min3A_5, %dma_wait3A_123] : memref<10000x128xf32, #tpu.memory_space<vmem_shared>> -> memref<128x128xf32, #tpu.memory_space<vmem_shared>>
    %dma_wait3A_125 = arith.constant 0 : i32
    %dma_wait3A_126 = tpu.memref_slice %arg20[%min3A_5, %dma_wait3A_125] : memref<10000x128xf32, #tpu.memory_space<vmem_shared>> -> memref<128x128xf32, #tpu.memory_space<vmem_shared>>
    tpu.wait_dma2 semaphore(%arg30 : memref<!tpu.dma_semaphore, #tpu.memory_space<semaphore_mem>>) src(%arg19 : memref<128x128xf32, #tpu.memory_space<vmem>>) dst(%dma_wait3A_126 : memref<128x128xf32, #tpu.memory_space<vmem_shared>>)
    %dma_wait3A_127 = arith.constant 0 : i32
    %dma_wait3A_128 = tpu.memref_slice %arg20[%min3A_5, %dma_wait3A_127] : memref<10000x128xf32, #tpu.memory_space<vmem_shared>> -> memref<128x128xf32, #tpu.memory_space<vmem_shared>>
    %dma_wait3A_129 = arith.constant 0 : i32
    %dma_wait3A_130 = tpu.memref_slice %arg20[%min3A_5, %dma_wait3A_129] : memref<10000x128xf32, #tpu.memory_space<vmem_shared>> -> memref<128x128xf32, #tpu.memory_space<vmem_shared>>
    tpu.wait_dma2 semaphore(%arg30 : memref<!tpu.dma_semaphore, #tpu.memory_space<semaphore_mem>>) src(%arg19 : memref<128x128xf32, #tpu.memory_space<vmem>>) dst(%dma_wait3A_130 : memref<128x128xf32, #tpu.memory_space<vmem_shared>>)
    %dma_wait3A_131 = arith.constant 0 : i32
    %dma_wait3A_132 = tpu.memref_slice %arg20[%min3A_5, %dma_wait3A_131] : memref<10000x128xf32, #tpu.memory_space<vmem_shared>> -> memref<128x128xf32, #tpu.memory_space<vmem_shared>>
    %dma_wait3A_133 = arith.constant 0 : i32
    %dma_wait3A_134 = tpu.memref_slice %arg20[%min3A_5, %dma_wait3A_133] : memref<10000x128xf32, #tpu.memory_space<vmem_shared>> -> memref<128x128xf32, #tpu.memory_space<vmem_shared>>
    tpu.wait_dma2 semaphore(%arg30 : memref<!tpu.dma_semaphore, #tpu.memory_space<semaphore_mem>>) src(%arg19 : memref<128x128xf32, #tpu.memory_space<vmem>>) dst(%dma_wait3A_134 : memref<128x128xf32, #tpu.memory_space<vmem_shared>>)
    %dma_wait3A_135 = arith.constant 0 : i32
    %dma_wait3A_136 = arith.constant 0 : i32
    %dma_wait3A_137 = tpu.memref_slice %arg3[%dma_wait3A_135, %dma_wait3A_136] : memref<2x320000xi32, #tpu.memory_space<hbm>> -> memref<1x128xi32, #tpu.memory_space<hbm>>
    %dma_wait3A_138 = tpu.memref_squeeze %dma_wait3A_137 : memref<1x128xi32, #tpu.memory_space<hbm>> -> memref<128xi32, #tpu.memory_space<hbm>>
    %dma_wait3A_139 = arith.constant 0 : i32
    %dma_wait3A_140 = tpu.memref_slice %arg3[%dma_wait3A_135, %dma_wait3A_139] : memref<2x320000xi32, #tpu.memory_space<hbm>> -> memref<1x128xi32, #tpu.memory_space<hbm>>
    %dma_wait3A_141 = tpu.memref_squeeze %dma_wait3A_140 : memref<1x128xi32, #tpu.memory_space<hbm>> -> memref<128xi32, #tpu.memory_space<hbm>>
    tpu.wait_dma2 semaphore(%arg23 : memref<!tpu.dma_semaphore, #tpu.memory_space<semaphore_mem>>) src(%dma_wait3A_141 : memref<128xi32, #tpu.memory_space<hbm>>) dst(%arg7 : memref<128xi32, #tpu.memory_space<vmem>>)
    %dma_wait3A_142 = arith.constant 1 : i32
    %dma_wait3A_143 = arith.constant 0 : i32
    %dma_wait3A_144 = tpu.memref_slice %arg3[%dma_wait3A_142, %dma_wait3A_143] : memref<2x320000xi32, #tpu.memory_space<hbm>> -> memref<1x128xi32, #tpu.memory_space<hbm>>
    %dma_wait3A_145 = tpu.memref_squeeze %dma_wait3A_144 : memref<1x128xi32, #tpu.memory_space<hbm>> -> memref<128xi32, #tpu.memory_space<hbm>>
    %dma_wait3A_146 = arith.constant 0 : i32
    %dma_wait3A_147 = tpu.memref_slice %arg3[%dma_wait3A_142, %dma_wait3A_146] : memref<2x320000xi32, #tpu.memory_space<hbm>> -> memref<1x128xi32, #tpu.memory_space<hbm>>
    %dma_wait3A_148 = tpu.memref_squeeze %dma_wait3A_147 : memref<1x128xi32, #tpu.memory_space<hbm>> -> memref<128xi32, #tpu.memory_space<hbm>>
    tpu.wait_dma2 semaphore(%arg23 : memref<!tpu.dma_semaphore, #tpu.memory_space<semaphore_mem>>) src(%dma_wait3A_148 : memref<128xi32, #tpu.memory_space<hbm>>) dst(%arg13 : memref<128xi32, #tpu.memory_space<vmem>>)
    %dma_start3A_149 = arith.constant 0 : i32
    %dma_start3A_150 = arith.constant 0 : i32
    %dma_start3A_151 = tpu.memref_slice %arg2[%dma_start3A_149, %dma_start3A_150] : memref<10000x128xf32, #tpu.memory_space<hbm>> -> memref<10000x128xf32, #tpu.memory_space<hbm>>
    tpu.enqueue_indirect_dma source(%dma_start3A_151 : memref<10000x128xf32, #tpu.memory_space<hbm>>) target(%arg19 : memref<128x128xf32, #tpu.memory_space<vmem>>) offsets(%arg7 : memref<128xi32, #tpu.memory_space<vmem>>) semaphore(%arg29 : memref<!tpu.dma_semaphore, #tpu.memory_space<semaphore_mem>>)
    %barrier3A = arith.constant 0 : index
    tpu.barrier barrier_id(%barrier3A)
    %scan3A_152 = arith.constant 0 : i32
    %scan3A_153 = arith.constant 0 : i32
    %scan3A_154 = arith.constant 13 : i32
    %scan3A_155 = arith.addi %scan3A_153, %scan3A_154 : i32
    %scan3A_156 = arith.constant 1 : i32
    scf.for %scan3A_170 = %scan3A_153 to %scan3A_155 step %scan3A_156  : i32 {
      %mul3A_171 = arith.constant 6 : i32
      %mul3A_172 = arith.muli %mul3A_171, %scan3A_170 : i32
      %add3A_173 = arith.constant 0 : i32
      %add3A_174 = arith.addi %mul3A_172, %add3A_173 : i32
      %ge3A = arith.constant 2 : i32
      %ge3A_175 = arith.cmpi sge, %add3A_174, %ge3A : i32
      %add3A_176 = arith.constant 1 : i32
      %add3A_177 = arith.addi %add3A_174, %add3A_176 : i32
      %lt3A_178 = arith.constant 78 : i32
      %lt3A_179 = arith.cmpi slt, %add3A_177, %lt3A_178 : i32
      %and3A = arith.andi %ge3A_175, %lt3A_179 : i1
      %convert_element_type3A_180 = arith.extui %and3A : i1 to i32
      %cond3A_181 = arith.constant 0 : i32
      %cond3A_182 = arith.cmpi ne, %convert_element_type3A_180, %cond3A_181 : i32
      scf.if %cond3A_182 {
        %dma_wait3A_331 = arith.constant 0 : i32
        %dma_wait3A_332 = arith.constant 0 : i32
        %dma_wait3A_333 = tpu.memref_slice %arg20[%dma_wait3A_331, %dma_wait3A_332] : memref<10000x128xf32, #tpu.memory_space<vmem_shared>> -> memref<10000x128xf32, #tpu.memory_space<vmem_shared>>
        tpu.wait_indirect_dma semaphore(%arg31 : memref<!tpu.dma_semaphore, #tpu.memory_space<semaphore_mem>>) src(%arg18 : memref<128x128xf32, #tpu.memory_space<vmem>>) dst(%dma_wait3A_333 : memref<10000x128xf32, #tpu.memory_space<vmem_shared>>)
        %dma_wait3A_334 = arith.constant 0 : i32
        %dma_wait3A_335 = arith.constant 0 : i32
        %dma_wait3A_336 = tpu.memref_slice %arg3[%dma_wait3A_334, %dma_wait3A_335] : memref<2x320000xi32, #tpu.memory_space<hbm>> -> memref<1x128xi32, #tpu.memory_space<hbm>>
        %dma_wait3A_337 = tpu.memref_squeeze %dma_wait3A_336 : memref<1x128xi32, #tpu.memory_space<hbm>> -> memref<128xi32, #tpu.memory_space<hbm>>
        %dma_wait3A_338 = arith.constant 0 : i32
        %dma_wait3A_339 = tpu.memref_slice %arg3[%dma_wait3A_334, %dma_wait3A_338] : memref<2x320000xi32, #tpu.memory_space<hbm>> -> memref<1x128xi32, #tpu.memory_space<hbm>>
        %dma_wait3A_340 = tpu.memref_squeeze %dma_wait3A_339 : memref<1x128xi32, #tpu.memory_space<hbm>> -> memref<128xi32, #tpu.memory_space<hbm>>
        tpu.wait_dma2 semaphore(%arg22 : memref<!tpu.dma_semaphore, #tpu.memory_space<semaphore_mem>>) src(%dma_wait3A_340 : memref<128xi32, #tpu.memory_space<hbm>>) dst(%arg6 : memref<128xi32, #tpu.memory_space<vmem>>)
        %dma_wait3A_341 = arith.constant 1 : i32
        %dma_wait3A_342 = arith.constant 0 : i32
        %dma_wait3A_343 = tpu.memref_slice %arg3[%dma_wait3A_341, %dma_wait3A_342] : memref<2x320000xi32, #tpu.memory_space<hbm>> -> memref<1x128xi32, #tpu.memory_space<hbm>>
        %dma_wait3A_344 = tpu.memref_squeeze %dma_wait3A_343 : memref<1x128xi32, #tpu.memory_space<hbm>> -> memref<128xi32, #tpu.memory_space<hbm>>
        %dma_wait3A_345 = arith.constant 0 : i32
        %dma_wait3A_346 = tpu.memref_slice %arg3[%dma_wait3A_341, %dma_wait3A_345] : memref<2x320000xi32, #tpu.memory_space<hbm>> -> memref<1x128xi32, #tpu.memory_space<hbm>>
        %dma_wait3A_347 = tpu.memref_squeeze %dma_wait3A_346 : memref<1x128xi32, #tpu.memory_space<hbm>> -> memref<128xi32, #tpu.memory_space<hbm>>
        tpu.wait_dma2 semaphore(%arg22 : memref<!tpu.dma_semaphore, #tpu.memory_space<semaphore_mem>>) src(%dma_wait3A_347 : memref<128xi32, #tpu.memory_space<hbm>>) dst(%arg12 : memref<128xi32, #tpu.memory_space<vmem>>)
        %dma_start3A_348 = arith.constant 0 : i32
        %dma_start3A_349 = arith.constant 0 : i32
        %dma_start3A_350 = tpu.memref_slice %arg2[%dma_start3A_348, %dma_start3A_349] : memref<10000x128xf32, #tpu.memory_space<hbm>> -> memref<10000x128xf32, #tpu.memory_space<hbm>>
        tpu.enqueue_indirect_dma source(%dma_start3A_350 : memref<10000x128xf32, #tpu.memory_space<hbm>>) target(%arg18 : memref<128x128xf32, #tpu.memory_space<vmem>>) offsets(%arg6 : memref<128xi32, #tpu.memory_space<vmem>>) semaphore(%arg28 : memref<!tpu.dma_semaphore, #tpu.memory_space<semaphore_mem>>)
      } else {
      }
      %dma_wait3A_183 = arith.constant 0 : i32
      %dma_wait3A_184 = arith.constant 0 : i32
      %dma_wait3A_185 = tpu.memref_slice %arg2[%dma_wait3A_183, %dma_wait3A_184] : memref<10000x128xf32, #tpu.memory_space<hbm>> -> memref<10000x128xf32, #tpu.memory_space<hbm>>
      tpu.wait_indirect_dma semaphore(%arg27 : memref<!tpu.dma_semaphore, #tpu.memory_space<semaphore_mem>>) src(%dma_wait3A_185 : memref<10000x128xf32, #tpu.memory_space<hbm>>) dst(%arg17 : memref<128x128xf32, #tpu.memory_space<vmem>>)
      %dma_start3A_186 = arith.constant 0 : i32
      %dma_start3A_187 = arith.constant 0 : i32
      %dma_start3A_188 = tpu.memref_slice %arg20[%dma_start3A_186, %dma_start3A_187] : memref<10000x128xf32, #tpu.memory_space<vmem_shared>> -> memref<10000x128xf32, #tpu.memory_space<vmem_shared>>
      tpu.enqueue_indirect_dma source(%arg17 : memref<128x128xf32, #tpu.memory_space<vmem>>) target(%dma_start3A_188 : memref<10000x128xf32, #tpu.memory_space<vmem_shared>>) offsets(%arg11 : memref<128xi32, #tpu.memory_space<vmem>>) semaphore(%arg30 : memref<!tpu.dma_semaphore, #tpu.memory_space<semaphore_mem>>) {add = true}
      %add3A_189 = arith.constant 3 : i32
      %add3A_190 = arith.addi %add3A_174, %add3A_189 : i32
      %lt3A_191 = arith.constant 78 : i32
      %lt3A_192 = arith.cmpi slt, %add3A_190, %lt3A_191 : i32
      %convert_element_type3A_193 = arith.extui %lt3A_192 : i1 to i32
      %cond3A_194 = arith.constant 0 : i32
      %cond3A_195 = arith.cmpi ne, %convert_element_type3A_193, %cond3A_194 : i32
      scf.if %cond3A_195 {
        %add3A_331 = arith.constant 3 : i32
        %add3A_332 = arith.addi %add3A_174, %add3A_331 : i32
        %add3A_333 = arith.addi %mul3A_2, %add3A_332 : i32
        %mul3A_334 = arith.constant 128 : i32
        %mul3A_335 = arith.muli %add3A_333, %mul3A_334 : i32
        %dma_start3A_336 = arith.constant 0 : i32
        %dma_start3A_337 = tpu.memref_slice %arg3[%dma_start3A_336, %mul3A_335] : memref<2x320000xi32, #tpu.memory_space<hbm>> -> memref<1x128xi32, #tpu.memory_space<hbm>>
        %dma_start3A_338 = tpu.memref_squeeze %dma_start3A_337 : memref<1x128xi32, #tpu.memory_space<hbm>> -> memref<128xi32, #tpu.memory_space<hbm>>
        %dma_start3A_339 = tpu.memref_slice %arg3[%dma_start3A_336, %mul3A_335] : memref<2x320000xi32, #tpu.memory_space<hbm>> -> memref<1x128xi32, #tpu.memory_space<hbm>>
        %dma_start3A_340 = tpu.memref_squeeze %dma_start3A_339 : memref<1x128xi32, #tpu.memory_space<hbm>> -> memref<128xi32, #tpu.memory_space<hbm>>
        tpu.enqueue_dma source(%dma_start3A_340 : memref<128xi32, #tpu.memory_space<hbm>>) target(%arg8 : memref<128xi32, #tpu.memory_space<vmem>>) target_semaphore(%arg24 : memref<!tpu.dma_semaphore, #tpu.memory_space<semaphore_mem>>)
        %dma_start3A_341 = arith.constant 1 : i32
        %dma_start3A_342 = tpu.memref_slice %arg3[%dma_start3A_341, %mul3A_335] : memref<2x320000xi32, #tpu.memory_space<hbm>> -> memref<1x128xi32, #tpu.memory_space<hbm>>
        %dma_start3A_343 = tpu.memref_squeeze %dma_start3A_342 : memref<1x128xi32, #tpu.memory_space<hbm>> -> memref<128xi32, #tpu.memory_space<hbm>>
        %dma_start3A_344 = tpu.memref_slice %arg3[%dma_start3A_341, %mul3A_335] : memref<2x320000xi32, #tpu.memory_space<hbm>> -> memref<1x128xi32, #tpu.memory_space<hbm>>
        %dma_start3A_345 = tpu.memref_squeeze %dma_start3A_344 : memref<1x128xi32, #tpu.memory_space<hbm>> -> memref<128xi32, #tpu.memory_space<hbm>>
        tpu.enqueue_dma source(%dma_start3A_345 : memref<128xi32, #tpu.memory_space<hbm>>) target(%arg14 : memref<128xi32, #tpu.memory_space<vmem>>) target_semaphore(%arg24 : memref<!tpu.dma_semaphore, #tpu.memory_space<semaphore_mem>>)
      } else {
      }
      %mul3A_196 = arith.constant 6 : i32
      %mul3A_197 = arith.muli %mul3A_196, %scan3A_170 : i32
      %add3A_198 = arith.constant 1 : i32
      %add3A_199 = arith.addi %mul3A_197, %add3A_198 : i32
      %ge3A_200 = arith.constant 2 : i32
      %ge3A_201 = arith.cmpi sge, %add3A_199, %ge3A_200 : i32
      %add3A_202 = arith.constant 1 : i32
      %add3A_203 = arith.addi %add3A_199, %add3A_202 : i32
      %lt3A_204 = arith.constant 78 : i32
      %lt3A_205 = arith.cmpi slt, %add3A_203, %lt3A_204 : i32
      %and3A_206 = arith.andi %ge3A_201, %lt3A_205 : i1
      %convert_element_type3A_207 = arith.extui %and3A_206 : i1 to i32
      %cond3A_208 = arith.constant 0 : i32
      %cond3A_209 = arith.cmpi ne, %convert_element_type3A_207, %cond3A_208 : i32
      scf.if %cond3A_209 {
        %dma_wait3A_331 = arith.constant 0 : i32
        %dma_wait3A_332 = arith.constant 0 : i32
        %dma_wait3A_333 = tpu.memref_slice %arg20[%dma_wait3A_331, %dma_wait3A_332] : memref<10000x128xf32, #tpu.memory_space<vmem_shared>> -> memref<10000x128xf32, #tpu.memory_space<vmem_shared>>
        tpu.wait_indirect_dma semaphore(%arg32 : memref<!tpu.dma_semaphore, #tpu.memory_space<semaphore_mem>>) src(%arg19 : memref<128x128xf32, #tpu.memory_space<vmem>>) dst(%dma_wait3A_333 : memref<10000x128xf32, #tpu.memory_space<vmem_shared>>)
        %dma_wait3A_334 = arith.constant 0 : i32
        %dma_wait3A_335 = arith.constant 0 : i32
        %dma_wait3A_336 = tpu.memref_slice %arg3[%dma_wait3A_334, %dma_wait3A_335] : memref<2x320000xi32, #tpu.memory_space<hbm>> -> memref<1x128xi32, #tpu.memory_space<hbm>>
        %dma_wait3A_337 = tpu.memref_squeeze %dma_wait3A_336 : memref<1x128xi32, #tpu.memory_space<hbm>> -> memref<128xi32, #tpu.memory_space<hbm>>
        %dma_wait3A_338 = arith.constant 0 : i32
        %dma_wait3A_339 = tpu.memref_slice %arg3[%dma_wait3A_334, %dma_wait3A_338] : memref<2x320000xi32, #tpu.memory_space<hbm>> -> memref<1x128xi32, #tpu.memory_space<hbm>>
        %dma_wait3A_340 = tpu.memref_squeeze %dma_wait3A_339 : memref<1x128xi32, #tpu.memory_space<hbm>> -> memref<128xi32, #tpu.memory_space<hbm>>
        tpu.wait_dma2 semaphore(%arg23 : memref<!tpu.dma_semaphore, #tpu.memory_space<semaphore_mem>>) src(%dma_wait3A_340 : memref<128xi32, #tpu.memory_space<hbm>>) dst(%arg7 : memref<128xi32, #tpu.memory_space<vmem>>)
        %dma_wait3A_341 = arith.constant 1 : i32
        %dma_wait3A_342 = arith.constant 0 : i32
        %dma_wait3A_343 = tpu.memref_slice %arg3[%dma_wait3A_341, %dma_wait3A_342] : memref<2x320000xi32, #tpu.memory_space<hbm>> -> memref<1x128xi32, #tpu.memory_space<hbm>>
        %dma_wait3A_344 = tpu.memref_squeeze %dma_wait3A_343 : memref<1x128xi32, #tpu.memory_space<hbm>> -> memref<128xi32, #tpu.memory_space<hbm>>
        %dma_wait3A_345 = arith.constant 0 : i32
        %dma_wait3A_346 = tpu.memref_slice %arg3[%dma_wait3A_341, %dma_wait3A_345] : memref<2x320000xi32, #tpu.memory_space<hbm>> -> memref<1x128xi32, #tpu.memory_space<hbm>>
        %dma_wait3A_347 = tpu.memref_squeeze %dma_wait3A_346 : memref<1x128xi32, #tpu.memory_space<hbm>> -> memref<128xi32, #tpu.memory_space<hbm>>
        tpu.wait_dma2 semaphore(%arg23 : memref<!tpu.dma_semaphore, #tpu.memory_space<semaphore_mem>>) src(%dma_wait3A_347 : memref<128xi32, #tpu.memory_space<hbm>>) dst(%arg13 : memref<128xi32, #tpu.memory_space<vmem>>)
        %dma_start3A_348 = arith.constant 0 : i32
        %dma_start3A_349 = arith.constant 0 : i32
        %dma_start3A_350 = tpu.memref_slice %arg2[%dma_start3A_348, %dma_start3A_349] : memref<10000x128xf32, #tpu.memory_space<hbm>> -> memref<10000x128xf32, #tpu.memory_space<hbm>>
        tpu.enqueue_indirect_dma source(%dma_start3A_350 : memref<10000x128xf32, #tpu.memory_space<hbm>>) target(%arg19 : memref<128x128xf32, #tpu.memory_space<vmem>>) offsets(%arg7 : memref<128xi32, #tpu.memory_space<vmem>>) semaphore(%arg29 : memref<!tpu.dma_semaphore, #tpu.memory_space<semaphore_mem>>)
      } else {
      }
      %dma_wait3A_210 = arith.constant 0 : i32
      %dma_wait3A_211 = arith.constant 0 : i32
      %dma_wait3A_212 = tpu.memref_slice %arg2[%dma_wait3A_210, %dma_wait3A_211] : memref<10000x128xf32, #tpu.memory_space<hbm>> -> memref<10000x128xf32, #tpu.memory_space<hbm>>
      tpu.wait_indirect_dma semaphore(%arg28 : memref<!tpu.dma_semaphore, #tpu.memory_space<semaphore_mem>>) src(%dma_wait3A_212 : memref<10000x128xf32, #tpu.memory_space<hbm>>) dst(%arg18 : memref<128x128xf32, #tpu.memory_space<vmem>>)
      %dma_start3A_213 = arith.constant 0 : i32
      %dma_start3A_214 = arith.constant 0 : i32
      %dma_start3A_215 = tpu.memref_slice %arg20[%dma_start3A_213, %dma_start3A_214] : memref<10000x128xf32, #tpu.memory_space<vmem_shared>> -> memref<10000x128xf32, #tpu.memory_space<vmem_shared>>
      tpu.enqueue_indirect_dma source(%arg18 : memref<128x128xf32, #tpu.memory_space<vmem>>) target(%dma_start3A_215 : memref<10000x128xf32, #tpu.memory_space<vmem_shared>>) offsets(%arg12 : memref<128xi32, #tpu.memory_space<vmem>>) semaphore(%arg31 : memref<!tpu.dma_semaphore, #tpu.memory_space<semaphore_mem>>) {add = true}
      %add3A_216 = arith.constant 3 : i32
      %add3A_217 = arith.addi %add3A_199, %add3A_216 : i32
      %lt3A_218 = arith.constant 78 : i32
      %lt3A_219 = arith.cmpi slt, %add3A_217, %lt3A_218 : i32
      %convert_element_type3A_220 = arith.extui %lt3A_219 : i1 to i32
      %cond3A_221 = arith.constant 0 : i32
      %cond3A_222 = arith.cmpi ne, %convert_element_type3A_220, %cond3A_221 : i32
      scf.if %cond3A_222 {
        %add3A_331 = arith.constant 3 : i32
        %add3A_332 = arith.addi %add3A_199, %add3A_331 : i32
        %add3A_333 = arith.addi %mul3A_2, %add3A_332 : i32
        %mul3A_334 = arith.constant 128 : i32
        %mul3A_335 = arith.muli %add3A_333, %mul3A_334 : i32
        %dma_start3A_336 = arith.constant 0 : i32
        %dma_start3A_337 = tpu.memref_slice %arg3[%dma_start3A_336, %mul3A_335] : memref<2x320000xi32, #tpu.memory_space<hbm>> -> memref<1x128xi32, #tpu.memory_space<hbm>>
        %dma_start3A_338 = tpu.memref_squeeze %dma_start3A_337 : memref<1x128xi32, #tpu.memory_space<hbm>> -> memref<128xi32, #tpu.memory_space<hbm>>
        %dma_start3A_339 = tpu.memref_slice %arg3[%dma_start3A_336, %mul3A_335] : memref<2x320000xi32, #tpu.memory_space<hbm>> -> memref<1x128xi32, #tpu.memory_space<hbm>>
        %dma_start3A_340 = tpu.memref_squeeze %dma_start3A_339 : memref<1x128xi32, #tpu.memory_space<hbm>> -> memref<128xi32, #tpu.memory_space<hbm>>
        tpu.enqueue_dma source(%dma_start3A_340 : memref<128xi32, #tpu.memory_space<hbm>>) target(%arg9 : memref<128xi32, #tpu.memory_space<vmem>>) target_semaphore(%arg25 : memref<!tpu.dma_semaphore, #tpu.memory_space<semaphore_mem>>)
        %dma_start3A_341 = arith.constant 1 : i32
        %dma_start3A_342 = tpu.memref_slice %arg3[%dma_start3A_341, %mul3A_335] : memref<2x320000xi32, #tpu.memory_space<hbm>> -> memref<1x128xi32, #tpu.memory_space<hbm>>
        %dma_start3A_343 = tpu.memref_squeeze %dma_start3A_342 : memref<1x128xi32, #tpu.memory_space<hbm>> -> memref<128xi32, #tpu.memory_space<hbm>>
        %dma_start3A_344 = tpu.memref_slice %arg3[%dma_start3A_341, %mul3A_335] : memref<2x320000xi32, #tpu.memory_space<hbm>> -> memref<1x128xi32, #tpu.memory_space<hbm>>
        %dma_start3A_345 = tpu.memref_squeeze %dma_start3A_344 : memref<1x128xi32, #tpu.memory_space<hbm>> -> memref<128xi32, #tpu.memory_space<hbm>>
        tpu.enqueue_dma source(%dma_start3A_345 : memref<128xi32, #tpu.memory_space<hbm>>) target(%arg15 : memref<128xi32, #tpu.memory_space<vmem>>) target_semaphore(%arg25 : memref<!tpu.dma_semaphore, #tpu.memory_space<semaphore_mem>>)
      } else {
      }
      %mul3A_223 = arith.constant 6 : i32
      %mul3A_224 = arith.muli %mul3A_223, %scan3A_170 : i32
      %add3A_225 = arith.constant 2 : i32
      %add3A_226 = arith.addi %mul3A_224, %add3A_225 : i32
      %ge3A_227 = arith.constant 2 : i32
      %ge3A_228 = arith.cmpi sge, %add3A_226, %ge3A_227 : i32
      %add3A_229 = arith.constant 1 : i32
      %add3A_230 = arith.addi %add3A_226, %add3A_229 : i32
      %lt3A_231 = arith.constant 78 : i32
      %lt3A_232 = arith.cmpi slt, %add3A_230, %lt3A_231 : i32
      %and3A_233 = arith.andi %ge3A_228, %lt3A_232 : i1
      %convert_element_type3A_234 = arith.extui %and3A_233 : i1 to i32
      %cond3A_235 = arith.constant 0 : i32
      %cond3A_236 = arith.cmpi ne, %convert_element_type3A_234, %cond3A_235 : i32
      scf.if %cond3A_236 {
        %dma_wait3A_331 = arith.constant 0 : i32
        %dma_wait3A_332 = arith.constant 0 : i32
        %dma_wait3A_333 = tpu.memref_slice %arg20[%dma_wait3A_331, %dma_wait3A_332] : memref<10000x128xf32, #tpu.memory_space<vmem_shared>> -> memref<10000x128xf32, #tpu.memory_space<vmem_shared>>
        tpu.wait_indirect_dma semaphore(%arg30 : memref<!tpu.dma_semaphore, #tpu.memory_space<semaphore_mem>>) src(%arg17 : memref<128x128xf32, #tpu.memory_space<vmem>>) dst(%dma_wait3A_333 : memref<10000x128xf32, #tpu.memory_space<vmem_shared>>)
        %dma_wait3A_334 = arith.constant 0 : i32
        %dma_wait3A_335 = arith.constant 0 : i32
        %dma_wait3A_336 = tpu.memref_slice %arg3[%dma_wait3A_334, %dma_wait3A_335] : memref<2x320000xi32, #tpu.memory_space<hbm>> -> memref<1x128xi32, #tpu.memory_space<hbm>>
        %dma_wait3A_337 = tpu.memref_squeeze %dma_wait3A_336 : memref<1x128xi32, #tpu.memory_space<hbm>> -> memref<128xi32, #tpu.memory_space<hbm>>
        %dma_wait3A_338 = arith.constant 0 : i32
        %dma_wait3A_339 = tpu.memref_slice %arg3[%dma_wait3A_334, %dma_wait3A_338] : memref<2x320000xi32, #tpu.memory_space<hbm>> -> memref<1x128xi32, #tpu.memory_space<hbm>>
        %dma_wait3A_340 = tpu.memref_squeeze %dma_wait3A_339 : memref<1x128xi32, #tpu.memory_space<hbm>> -> memref<128xi32, #tpu.memory_space<hbm>>
        tpu.wait_dma2 semaphore(%arg24 : memref<!tpu.dma_semaphore, #tpu.memory_space<semaphore_mem>>) src(%dma_wait3A_340 : memref<128xi32, #tpu.memory_space<hbm>>) dst(%arg8 : memref<128xi32, #tpu.memory_space<vmem>>)
        %dma_wait3A_341 = arith.constant 1 : i32
        %dma_wait3A_342 = arith.constant 0 : i32
        %dma_wait3A_343 = tpu.memref_slice %arg3[%dma_wait3A_341, %dma_wait3A_342] : memref<2x320000xi32, #tpu.memory_space<hbm>> -> memref<1x128xi32, #tpu.memory_space<hbm>>
        %dma_wait3A_344 = tpu.memref_squeeze %dma_wait3A_343 : memref<1x128xi32, #tpu.memory_space<hbm>> -> memref<128xi32, #tpu.memory_space<hbm>>
        %dma_wait3A_345 = arith.constant 0 : i32
        %dma_wait3A_346 = tpu.memref_slice %arg3[%dma_wait3A_341, %dma_wait3A_345] : memref<2x320000xi32, #tpu.memory_space<hbm>> -> memref<1x128xi32, #tpu.memory_space<hbm>>
        %dma_wait3A_347 = tpu.memref_squeeze %dma_wait3A_346 : memref<1x128xi32, #tpu.memory_space<hbm>> -> memref<128xi32, #tpu.memory_space<hbm>>
        tpu.wait_dma2 semaphore(%arg24 : memref<!tpu.dma_semaphore, #tpu.memory_space<semaphore_mem>>) src(%dma_wait3A_347 : memref<128xi32, #tpu.memory_space<hbm>>) dst(%arg14 : memref<128xi32, #tpu.memory_space<vmem>>)
        %dma_start3A_348 = arith.constant 0 : i32
        %dma_start3A_349 = arith.constant 0 : i32
        %dma_start3A_350 = tpu.memref_slice %arg2[%dma_start3A_348, %dma_start3A_349] : memref<10000x128xf32, #tpu.memory_space<hbm>> -> memref<10000x128xf32, #tpu.memory_space<hbm>>
        tpu.enqueue_indirect_dma source(%dma_start3A_350 : memref<10000x128xf32, #tpu.memory_space<hbm>>) target(%arg17 : memref<128x128xf32, #tpu.memory_space<vmem>>) offsets(%arg8 : memref<128xi32, #tpu.memory_space<vmem>>) semaphore(%arg27 : memref<!tpu.dma_semaphore, #tpu.memory_space<semaphore_mem>>)
      } else {
      }
      %dma_wait3A_237 = arith.constant 0 : i32
      %dma_wait3A_238 = arith.constant 0 : i32
      %dma_wait3A_239 = tpu.memref_slice %arg2[%dma_wait3A_237, %dma_wait3A_238] : memref<10000x128xf32, #tpu.memory_space<hbm>> -> memref<10000x128xf32, #tpu.memory_space<hbm>>
      tpu.wait_indirect_dma semaphore(%arg29 : memref<!tpu.dma_semaphore, #tpu.memory_space<semaphore_mem>>) src(%dma_wait3A_239 : memref<10000x128xf32, #tpu.memory_space<hbm>>) dst(%arg19 : memref<128x128xf32, #tpu.memory_space<vmem>>)
      %dma_start3A_240 = arith.constant 0 : i32
      %dma_start3A_241 = arith.constant 0 : i32
      %dma_start3A_242 = tpu.memref_slice %arg20[%dma_start3A_240, %dma_start3A_241] : memref<10000x128xf32, #tpu.memory_space<vmem_shared>> -> memref<10000x128xf32, #tpu.memory_space<vmem_shared>>
      tpu.enqueue_indirect_dma source(%arg19 : memref<128x128xf32, #tpu.memory_space<vmem>>) target(%dma_start3A_242 : memref<10000x128xf32, #tpu.memory_space<vmem_shared>>) offsets(%arg13 : memref<128xi32, #tpu.memory_space<vmem>>) semaphore(%arg32 : memref<!tpu.dma_semaphore, #tpu.memory_space<semaphore_mem>>) {add = true}
      %add3A_243 = arith.constant 3 : i32
      %add3A_244 = arith.addi %add3A_226, %add3A_243 : i32
      %lt3A_245 = arith.constant 78 : i32
      %lt3A_246 = arith.cmpi slt, %add3A_244, %lt3A_245 : i32
      %convert_element_type3A_247 = arith.extui %lt3A_246 : i1 to i32
      %cond3A_248 = arith.constant 0 : i32
      %cond3A_249 = arith.cmpi ne, %convert_element_type3A_247, %cond3A_248 : i32
      scf.if %cond3A_249 {
        %add3A_331 = arith.constant 3 : i32
        %add3A_332 = arith.addi %add3A_226, %add3A_331 : i32
        %add3A_333 = arith.addi %mul3A_2, %add3A_332 : i32
        %mul3A_334 = arith.constant 128 : i32
        %mul3A_335 = arith.muli %add3A_333, %mul3A_334 : i32
        %dma_start3A_336 = arith.constant 0 : i32
        %dma_start3A_337 = tpu.memref_slice %arg3[%dma_start3A_336, %mul3A_335] : memref<2x320000xi32, #tpu.memory_space<hbm>> -> memref<1x128xi32, #tpu.memory_space<hbm>>
        %dma_start3A_338 = tpu.memref_squeeze %dma_start3A_337 : memref<1x128xi32, #tpu.memory_space<hbm>> -> memref<128xi32, #tpu.memory_space<hbm>>
        %dma_start3A_339 = tpu.memref_slice %arg3[%dma_start3A_336, %mul3A_335] : memref<2x320000xi32, #tpu.memory_space<hbm>> -> memref<1x128xi32, #tpu.memory_space<hbm>>
        %dma_start3A_340 = tpu.memref_squeeze %dma_start3A_339 : memref<1x128xi32, #tpu.memory_space<hbm>> -> memref<128xi32, #tpu.memory_space<hbm>>
        tpu.enqueue_dma source(%dma_start3A_340 : memref<128xi32, #tpu.memory_space<hbm>>) target(%arg10 : memref<128xi32, #tpu.memory_space<vmem>>) target_semaphore(%arg26 : memref<!tpu.dma_semaphore, #tpu.memory_space<semaphore_mem>>)
        %dma_start3A_341 = arith.constant 1 : i32
        %dma_start3A_342 = tpu.memref_slice %arg3[%dma_start3A_341, %mul3A_335] : memref<2x320000xi32, #tpu.memory_space<hbm>> -> memref<1x128xi32, #tpu.memory_space<hbm>>
        %dma_start3A_343 = tpu.memref_squeeze %dma_start3A_342 : memref<1x128xi32, #tpu.memory_space<hbm>> -> memref<128xi32, #tpu.memory_space<hbm>>
        %dma_start3A_344 = tpu.memref_slice %arg3[%dma_start3A_341, %mul3A_335] : memref<2x320000xi32, #tpu.memory_space<hbm>> -> memref<1x128xi32, #tpu.memory_space<hbm>>
        %dma_start3A_345 = tpu.memref_squeeze %dma_start3A_344 : memref<1x128xi32, #tpu.memory_space<hbm>> -> memref<128xi32, #tpu.memory_space<hbm>>
        tpu.enqueue_dma source(%dma_start3A_345 : memref<128xi32, #tpu.memory_space<hbm>>) target(%arg16 : memref<128xi32, #tpu.memory_space<vmem>>) target_semaphore(%arg26 : memref<!tpu.dma_semaphore, #tpu.memory_space<semaphore_mem>>)
      } else {
      }
      %mul3A_250 = arith.constant 6 : i32
      %mul3A_251 = arith.muli %mul3A_250, %scan3A_170 : i32
      %add3A_252 = arith.constant 3 : i32
      %add3A_253 = arith.addi %mul3A_251, %add3A_252 : i32
      %ge3A_254 = arith.constant 2 : i32
      %ge3A_255 = arith.cmpi sge, %add3A_253, %ge3A_254 : i32
      %add3A_256 = arith.constant 1 : i32
      %add3A_257 = arith.addi %add3A_253, %add3A_256 : i32
      %lt3A_258 = arith.constant 78 : i32
      %lt3A_259 = arith.cmpi slt, %add3A_257, %lt3A_258 : i32
      %and3A_260 = arith.andi %ge3A_255, %lt3A_259 : i1
      %convert_element_type3A_261 = arith.extui %and3A_260 : i1 to i32
      %cond3A_262 = arith.constant 0 : i32
      %cond3A_263 = arith.cmpi ne, %convert_element_type3A_261, %cond3A_262 : i32
      scf.if %cond3A_263 {
        %dma_wait3A_331 = arith.constant 0 : i32
        %dma_wait3A_332 = arith.constant 0 : i32
        %dma_wait3A_333 = tpu.memref_slice %arg20[%dma_wait3A_331, %dma_wait3A_332] : memref<10000x128xf32, #tpu.memory_space<vmem_shared>> -> memref<10000x128xf32, #tpu.memory_space<vmem_shared>>
        tpu.wait_indirect_dma semaphore(%arg31 : memref<!tpu.dma_semaphore, #tpu.memory_space<semaphore_mem>>) src(%arg18 : memref<128x128xf32, #tpu.memory_space<vmem>>) dst(%dma_wait3A_333 : memref<10000x128xf32, #tpu.memory_space<vmem_shared>>)
        %dma_wait3A_334 = arith.constant 0 : i32
        %dma_wait3A_335 = arith.constant 0 : i32
        %dma_wait3A_336 = tpu.memref_slice %arg3[%dma_wait3A_334, %dma_wait3A_335] : memref<2x320000xi32, #tpu.memory_space<hbm>> -> memref<1x128xi32, #tpu.memory_space<hbm>>
        %dma_wait3A_337 = tpu.memref_squeeze %dma_wait3A_336 : memref<1x128xi32, #tpu.memory_space<hbm>> -> memref<128xi32, #tpu.memory_space<hbm>>
        %dma_wait3A_338 = arith.constant 0 : i32
        %dma_wait3A_339 = tpu.memref_slice %arg3[%dma_wait3A_334, %dma_wait3A_338] : memref<2x320000xi32, #tpu.memory_space<hbm>> -> memref<1x128xi32, #tpu.memory_space<hbm>>
        %dma_wait3A_340 = tpu.memref_squeeze %dma_wait3A_339 : memref<1x128xi32, #tpu.memory_space<hbm>> -> memref<128xi32, #tpu.memory_space<hbm>>
        tpu.wait_dma2 semaphore(%arg25 : memref<!tpu.dma_semaphore, #tpu.memory_space<semaphore_mem>>) src(%dma_wait3A_340 : memref<128xi32, #tpu.memory_space<hbm>>) dst(%arg9 : memref<128xi32, #tpu.memory_space<vmem>>)
        %dma_wait3A_341 = arith.constant 1 : i32
        %dma_wait3A_342 = arith.constant 0 : i32
        %dma_wait3A_343 = tpu.memref_slice %arg3[%dma_wait3A_341, %dma_wait3A_342] : memref<2x320000xi32, #tpu.memory_space<hbm>> -> memref<1x128xi32, #tpu.memory_space<hbm>>
        %dma_wait3A_344 = tpu.memref_squeeze %dma_wait3A_343 : memref<1x128xi32, #tpu.memory_space<hbm>> -> memref<128xi32, #tpu.memory_space<hbm>>
        %dma_wait3A_345 = arith.constant 0 : i32
        %dma_wait3A_346 = tpu.memref_slice %arg3[%dma_wait3A_341, %dma_wait3A_345] : memref<2x320000xi32, #tpu.memory_space<hbm>> -> memref<1x128xi32, #tpu.memory_space<hbm>>
        %dma_wait3A_347 = tpu.memref_squeeze %dma_wait3A_346 : memref<1x128xi32, #tpu.memory_space<hbm>> -> memref<128xi32, #tpu.memory_space<hbm>>
        tpu.wait_dma2 semaphore(%arg25 : memref<!tpu.dma_semaphore, #tpu.memory_space<semaphore_mem>>) src(%dma_wait3A_347 : memref<128xi32, #tpu.memory_space<hbm>>) dst(%arg15 : memref<128xi32, #tpu.memory_space<vmem>>)
        %dma_start3A_348 = arith.constant 0 : i32
        %dma_start3A_349 = arith.constant 0 : i32
        %dma_start3A_350 = tpu.memref_slice %arg2[%dma_start3A_348, %dma_start3A_349] : memref<10000x128xf32, #tpu.memory_space<hbm>> -> memref<10000x128xf32, #tpu.memory_space<hbm>>
        tpu.enqueue_indirect_dma source(%dma_start3A_350 : memref<10000x128xf32, #tpu.memory_space<hbm>>) target(%arg18 : memref<128x128xf32, #tpu.memory_space<vmem>>) offsets(%arg9 : memref<128xi32, #tpu.memory_space<vmem>>) semaphore(%arg28 : memref<!tpu.dma_semaphore, #tpu.memory_space<semaphore_mem>>)
      } else {
      }
      %dma_wait3A_264 = arith.constant 0 : i32
      %dma_wait3A_265 = arith.constant 0 : i32
      %dma_wait3A_266 = tpu.memref_slice %arg2[%dma_wait3A_264, %dma_wait3A_265] : memref<10000x128xf32, #tpu.memory_space<hbm>> -> memref<10000x128xf32, #tpu.memory_space<hbm>>
      tpu.wait_indirect_dma semaphore(%arg27 : memref<!tpu.dma_semaphore, #tpu.memory_space<semaphore_mem>>) src(%dma_wait3A_266 : memref<10000x128xf32, #tpu.memory_space<hbm>>) dst(%arg17 : memref<128x128xf32, #tpu.memory_space<vmem>>)
      %dma_start3A_267 = arith.constant 0 : i32
      %dma_start3A_268 = arith.constant 0 : i32
      %dma_start3A_269 = tpu.memref_slice %arg20[%dma_start3A_267, %dma_start3A_268] : memref<10000x128xf32, #tpu.memory_space<vmem_shared>> -> memref<10000x128xf32, #tpu.memory_space<vmem_shared>>
      tpu.enqueue_indirect_dma source(%arg17 : memref<128x128xf32, #tpu.memory_space<vmem>>) target(%dma_start3A_269 : memref<10000x128xf32, #tpu.memory_space<vmem_shared>>) offsets(%arg14 : memref<128xi32, #tpu.memory_space<vmem>>) semaphore(%arg30 : memref<!tpu.dma_semaphore, #tpu.memory_space<semaphore_mem>>) {add = true}
      %add3A_270 = arith.constant 3 : i32
      %add3A_271 = arith.addi %add3A_253, %add3A_270 : i32
      %lt3A_272 = arith.constant 78 : i32
      %lt3A_273 = arith.cmpi slt, %add3A_271, %lt3A_272 : i32
      %convert_element_type3A_274 = arith.extui %lt3A_273 : i1 to i32
      %cond3A_275 = arith.constant 0 : i32
      %cond3A_276 = arith.cmpi ne, %convert_element_type3A_274, %cond3A_275 : i32
      scf.if %cond3A_276 {
        %add3A_331 = arith.constant 3 : i32
        %add3A_332 = arith.addi %add3A_253, %add3A_331 : i32
        %add3A_333 = arith.addi %mul3A_2, %add3A_332 : i32
        %mul3A_334 = arith.constant 128 : i32
        %mul3A_335 = arith.muli %add3A_333, %mul3A_334 : i32
        %dma_start3A_336 = arith.constant 0 : i32
        %dma_start3A_337 = tpu.memref_slice %arg3[%dma_start3A_336, %mul3A_335] : memref<2x320000xi32, #tpu.memory_space<hbm>> -> memref<1x128xi32, #tpu.memory_space<hbm>>
        %dma_start3A_338 = tpu.memref_squeeze %dma_start3A_337 : memref<1x128xi32, #tpu.memory_space<hbm>> -> memref<128xi32, #tpu.memory_space<hbm>>
        %dma_start3A_339 = tpu.memref_slice %arg3[%dma_start3A_336, %mul3A_335] : memref<2x320000xi32, #tpu.memory_space<hbm>> -> memref<1x128xi32, #tpu.memory_space<hbm>>
        %dma_start3A_340 = tpu.memref_squeeze %dma_start3A_339 : memref<1x128xi32, #tpu.memory_space<hbm>> -> memref<128xi32, #tpu.memory_space<hbm>>
        tpu.enqueue_dma source(%dma_start3A_340 : memref<128xi32, #tpu.memory_space<hbm>>) target(%arg5 : memref<128xi32, #tpu.memory_space<vmem>>) target_semaphore(%arg21 : memref<!tpu.dma_semaphore, #tpu.memory_space<semaphore_mem>>)
        %dma_start3A_341 = arith.constant 1 : i32
        %dma_start3A_342 = tpu.memref_slice %arg3[%dma_start3A_341, %mul3A_335] : memref<2x320000xi32, #tpu.memory_space<hbm>> -> memref<1x128xi32, #tpu.memory_space<hbm>>
        %dma_start3A_343 = tpu.memref_squeeze %dma_start3A_342 : memref<1x128xi32, #tpu.memory_space<hbm>> -> memref<128xi32, #tpu.memory_space<hbm>>
        %dma_start3A_344 = tpu.memref_slice %arg3[%dma_start3A_341, %mul3A_335] : memref<2x320000xi32, #tpu.memory_space<hbm>> -> memref<1x128xi32, #tpu.memory_space<hbm>>
        %dma_start3A_345 = tpu.memref_squeeze %dma_start3A_344 : memref<1x128xi32, #tpu.memory_space<hbm>> -> memref<128xi32, #tpu.memory_space<hbm>>
        tpu.enqueue_dma source(%dma_start3A_345 : memref<128xi32, #tpu.memory_space<hbm>>) target(%arg11 : memref<128xi32, #tpu.memory_space<vmem>>) target_semaphore(%arg21 : memref<!tpu.dma_semaphore, #tpu.memory_space<semaphore_mem>>)
      } else {
      }
      %mul3A_277 = arith.constant 6 : i32
      %mul3A_278 = arith.muli %mul3A_277, %scan3A_170 : i32
      %add3A_279 = arith.constant 4 : i32
      %add3A_280 = arith.addi %mul3A_278, %add3A_279 : i32
      %ge3A_281 = arith.constant 2 : i32
      %ge3A_282 = arith.cmpi sge, %add3A_280, %ge3A_281 : i32
      %add3A_283 = arith.constant 1 : i32
      %add3A_284 = arith.addi %add3A_280, %add3A_283 : i32
      %lt3A_285 = arith.constant 78 : i32
      %lt3A_286 = arith.cmpi slt, %add3A_284, %lt3A_285 : i32
      %and3A_287 = arith.andi %ge3A_282, %lt3A_286 : i1
      %convert_element_type3A_288 = arith.extui %and3A_287 : i1 to i32
      %cond3A_289 = arith.constant 0 : i32
      %cond3A_290 = arith.cmpi ne, %convert_element_type3A_288, %cond3A_289 : i32
      scf.if %cond3A_290 {
        %dma_wait3A_331 = arith.constant 0 : i32
        %dma_wait3A_332 = arith.constant 0 : i32
        %dma_wait3A_333 = tpu.memref_slice %arg20[%dma_wait3A_331, %dma_wait3A_332] : memref<10000x128xf32, #tpu.memory_space<vmem_shared>> -> memref<10000x128xf32, #tpu.memory_space<vmem_shared>>
        tpu.wait_indirect_dma semaphore(%arg32 : memref<!tpu.dma_semaphore, #tpu.memory_space<semaphore_mem>>) src(%arg19 : memref<128x128xf32, #tpu.memory_space<vmem>>) dst(%dma_wait3A_333 : memref<10000x128xf32, #tpu.memory_space<vmem_shared>>)
        %dma_wait3A_334 = arith.constant 0 : i32
        %dma_wait3A_335 = arith.constant 0 : i32
        %dma_wait3A_336 = tpu.memref_slice %arg3[%dma_wait3A_334, %dma_wait3A_335] : memref<2x320000xi32, #tpu.memory_space<hbm>> -> memref<1x128xi32, #tpu.memory_space<hbm>>
        %dma_wait3A_337 = tpu.memref_squeeze %dma_wait3A_336 : memref<1x128xi32, #tpu.memory_space<hbm>> -> memref<128xi32, #tpu.memory_space<hbm>>
        %dma_wait3A_338 = arith.constant 0 : i32
        %dma_wait3A_339 = tpu.memref_slice %arg3[%dma_wait3A_334, %dma_wait3A_338] : memref<2x320000xi32, #tpu.memory_space<hbm>> -> memref<1x128xi32, #tpu.memory_space<hbm>>
        %dma_wait3A_340 = tpu.memref_squeeze %dma_wait3A_339 : memref<1x128xi32, #tpu.memory_space<hbm>> -> memref<128xi32, #tpu.memory_space<hbm>>
        tpu.wait_dma2 semaphore(%arg26 : memref<!tpu.dma_semaphore, #tpu.memory_space<semaphore_mem>>) src(%dma_wait3A_340 : memref<128xi32, #tpu.memory_space<hbm>>) dst(%arg10 : memref<128xi32, #tpu.memory_space<vmem>>)
        %dma_wait3A_341 = arith.constant 1 : i32
        %dma_wait3A_342 = arith.constant 0 : i32
        %dma_wait3A_343 = tpu.memref_slice %arg3[%dma_wait3A_341, %dma_wait3A_342] : memref<2x320000xi32, #tpu.memory_space<hbm>> -> memref<1x128xi32, #tpu.memory_space<hbm>>
        %dma_wait3A_344 = tpu.memref_squeeze %dma_wait3A_343 : memref<1x128xi32, #tpu.memory_space<hbm>> -> memref<128xi32, #tpu.memory_space<hbm>>
        %dma_wait3A_345 = arith.constant 0 : i32
        %dma_wait3A_346 = tpu.memref_slice %arg3[%dma_wait3A_341, %dma_wait3A_345] : memref<2x320000xi32, #tpu.memory_space<hbm>> -> memref<1x128xi32, #tpu.memory_space<hbm>>
        %dma_wait3A_347 = tpu.memref_squeeze %dma_wait3A_346 : memref<1x128xi32, #tpu.memory_space<hbm>> -> memref<128xi32, #tpu.memory_space<hbm>>
        tpu.wait_dma2 semaphore(%arg26 : memref<!tpu.dma_semaphore, #tpu.memory_space<semaphore_mem>>) src(%dma_wait3A_347 : memref<128xi32, #tpu.memory_space<hbm>>) dst(%arg16 : memref<128xi32, #tpu.memory_space<vmem>>)
        %dma_start3A_348 = arith.constant 0 : i32
        %dma_start3A_349 = arith.constant 0 : i32
        %dma_start3A_350 = tpu.memref_slice %arg2[%dma_start3A_348, %dma_start3A_349] : memref<10000x128xf32, #tpu.memory_space<hbm>> -> memref<10000x128xf32, #tpu.memory_space<hbm>>
        tpu.enqueue_indirect_dma source(%dma_start3A_350 : memref<10000x128xf32, #tpu.memory_space<hbm>>) target(%arg19 : memref<128x128xf32, #tpu.memory_space<vmem>>) offsets(%arg10 : memref<128xi32, #tpu.memory_space<vmem>>) semaphore(%arg29 : memref<!tpu.dma_semaphore, #tpu.memory_space<semaphore_mem>>)
      } else {
      }
      %dma_wait3A_291 = arith.constant 0 : i32
      %dma_wait3A_292 = arith.constant 0 : i32
      %dma_wait3A_293 = tpu.memref_slice %arg2[%dma_wait3A_291, %dma_wait3A_292] : memref<10000x128xf32, #tpu.memory_space<hbm>> -> memref<10000x128xf32, #tpu.memory_space<hbm>>
      tpu.wait_indirect_dma semaphore(%arg28 : memref<!tpu.dma_semaphore, #tpu.memory_space<semaphore_mem>>) src(%dma_wait3A_293 : memref<10000x128xf32, #tpu.memory_space<hbm>>) dst(%arg18 : memref<128x128xf32, #tpu.memory_space<vmem>>)
      %dma_start3A_294 = arith.constant 0 : i32
      %dma_start3A_295 = arith.constant 0 : i32
      %dma_start3A_296 = tpu.memref_slice %arg20[%dma_start3A_294, %dma_start3A_295] : memref<10000x128xf32, #tpu.memory_space<vmem_shared>> -> memref<10000x128xf32, #tpu.memory_space<vmem_shared>>
      tpu.enqueue_indirect_dma source(%arg18 : memref<128x128xf32, #tpu.memory_space<vmem>>) target(%dma_start3A_296 : memref<10000x128xf32, #tpu.memory_space<vmem_shared>>) offsets(%arg15 : memref<128xi32, #tpu.memory_space<vmem>>) semaphore(%arg31 : memref<!tpu.dma_semaphore, #tpu.memory_space<semaphore_mem>>) {add = true}
      %add3A_297 = arith.constant 3 : i32
      %add3A_298 = arith.addi %add3A_280, %add3A_297 : i32
      %lt3A_299 = arith.constant 78 : i32
      %lt3A_300 = arith.cmpi slt, %add3A_298, %lt3A_299 : i32
      %convert_element_type3A_301 = arith.extui %lt3A_300 : i1 to i32
      %cond3A_302 = arith.constant 0 : i32
      %cond3A_303 = arith.cmpi ne, %convert_element_type3A_301, %cond3A_302 : i32
      scf.if %cond3A_303 {
        %add3A_331 = arith.constant 3 : i32
        %add3A_332 = arith.addi %add3A_280, %add3A_331 : i32
        %add3A_333 = arith.addi %mul3A_2, %add3A_332 : i32
        %mul3A_334 = arith.constant 128 : i32
        %mul3A_335 = arith.muli %add3A_333, %mul3A_334 : i32
        %dma_start3A_336 = arith.constant 0 : i32
        %dma_start3A_337 = tpu.memref_slice %arg3[%dma_start3A_336, %mul3A_335] : memref<2x320000xi32, #tpu.memory_space<hbm>> -> memref<1x128xi32, #tpu.memory_space<hbm>>
        %dma_start3A_338 = tpu.memref_squeeze %dma_start3A_337 : memref<1x128xi32, #tpu.memory_space<hbm>> -> memref<128xi32, #tpu.memory_space<hbm>>
        %dma_start3A_339 = tpu.memref_slice %arg3[%dma_start3A_336, %mul3A_335] : memref<2x320000xi32, #tpu.memory_space<hbm>> -> memref<1x128xi32, #tpu.memory_space<hbm>>
        %dma_start3A_340 = tpu.memref_squeeze %dma_start3A_339 : memref<1x128xi32, #tpu.memory_space<hbm>> -> memref<128xi32, #tpu.memory_space<hbm>>
        tpu.enqueue_dma source(%dma_start3A_340 : memref<128xi32, #tpu.memory_space<hbm>>) target(%arg6 : memref<128xi32, #tpu.memory_space<vmem>>) target_semaphore(%arg22 : memref<!tpu.dma_semaphore, #tpu.memory_space<semaphore_mem>>)
        %dma_start3A_341 = arith.constant 1 : i32
        %dma_start3A_342 = tpu.memref_slice %arg3[%dma_start3A_341, %mul3A_335] : memref<2x320000xi32, #tpu.memory_space<hbm>> -> memref<1x128xi32, #tpu.memory_space<hbm>>
        %dma_start3A_343 = tpu.memref_squeeze %dma_start3A_342 : memref<1x128xi32, #tpu.memory_space<hbm>> -> memref<128xi32, #tpu.memory_space<hbm>>
        %dma_start3A_344 = tpu.memref_slice %arg3[%dma_start3A_341, %mul3A_335] : memref<2x320000xi32, #tpu.memory_space<hbm>> -> memref<1x128xi32, #tpu.memory_space<hbm>>
        %dma_start3A_345 = tpu.memref_squeeze %dma_start3A_344 : memref<1x128xi32, #tpu.memory_space<hbm>> -> memref<128xi32, #tpu.memory_space<hbm>>
        tpu.enqueue_dma source(%dma_start3A_345 : memref<128xi32, #tpu.memory_space<hbm>>) target(%arg12 : memref<128xi32, #tpu.memory_space<vmem>>) target_semaphore(%arg22 : memref<!tpu.dma_semaphore, #tpu.memory_space<semaphore_mem>>)
      } else {
      }
      %mul3A_304 = arith.constant 6 : i32
      %mul3A_305 = arith.muli %mul3A_304, %scan3A_170 : i32
      %add3A_306 = arith.constant 5 : i32
      %add3A_307 = arith.addi %mul3A_305, %add3A_306 : i32
      %ge3A_308 = arith.constant 2 : i32
      %ge3A_309 = arith.cmpi sge, %add3A_307, %ge3A_308 : i32
      %add3A_310 = arith.constant 1 : i32
      %add3A_311 = arith.addi %add3A_307, %add3A_310 : i32
      %lt3A_312 = arith.constant 78 : i32
      %lt3A_313 = arith.cmpi slt, %add3A_311, %lt3A_312 : i32
      %and3A_314 = arith.andi %ge3A_309, %lt3A_313 : i1
      %convert_element_type3A_315 = arith.extui %and3A_314 : i1 to i32
      %cond3A_316 = arith.constant 0 : i32
      %cond3A_317 = arith.cmpi ne, %convert_element_type3A_315, %cond3A_316 : i32
      scf.if %cond3A_317 {
        %dma_wait3A_331 = arith.constant 0 : i32
        %dma_wait3A_332 = arith.constant 0 : i32
        %dma_wait3A_333 = tpu.memref_slice %arg20[%dma_wait3A_331, %dma_wait3A_332] : memref<10000x128xf32, #tpu.memory_space<vmem_shared>> -> memref<10000x128xf32, #tpu.memory_space<vmem_shared>>
        tpu.wait_indirect_dma semaphore(%arg30 : memref<!tpu.dma_semaphore, #tpu.memory_space<semaphore_mem>>) src(%arg17 : memref<128x128xf32, #tpu.memory_space<vmem>>) dst(%dma_wait3A_333 : memref<10000x128xf32, #tpu.memory_space<vmem_shared>>)
        %dma_wait3A_334 = arith.constant 0 : i32
        %dma_wait3A_335 = arith.constant 0 : i32
        %dma_wait3A_336 = tpu.memref_slice %arg3[%dma_wait3A_334, %dma_wait3A_335] : memref<2x320000xi32, #tpu.memory_space<hbm>> -> memref<1x128xi32, #tpu.memory_space<hbm>>
        %dma_wait3A_337 = tpu.memref_squeeze %dma_wait3A_336 : memref<1x128xi32, #tpu.memory_space<hbm>> -> memref<128xi32, #tpu.memory_space<hbm>>
        %dma_wait3A_338 = arith.constant 0 : i32
        %dma_wait3A_339 = tpu.memref_slice %arg3[%dma_wait3A_334, %dma_wait3A_338] : memref<2x320000xi32, #tpu.memory_space<hbm>> -> memref<1x128xi32, #tpu.memory_space<hbm>>
        %dma_wait3A_340 = tpu.memref_squeeze %dma_wait3A_339 : memref<1x128xi32, #tpu.memory_space<hbm>> -> memref<128xi32, #tpu.memory_space<hbm>>
        tpu.wait_dma2 semaphore(%arg21 : memref<!tpu.dma_semaphore, #tpu.memory_space<semaphore_mem>>) src(%dma_wait3A_340 : memref<128xi32, #tpu.memory_space<hbm>>) dst(%arg5 : memref<128xi32, #tpu.memory_space<vmem>>)
        %dma_wait3A_341 = arith.constant 1 : i32
        %dma_wait3A_342 = arith.constant 0 : i32
        %dma_wait3A_343 = tpu.memref_slice %arg3[%dma_wait3A_341, %dma_wait3A_342] : memref<2x320000xi32, #tpu.memory_space<hbm>> -> memref<1x128xi32, #tpu.memory_space<hbm>>
        %dma_wait3A_344 = tpu.memref_squeeze %dma_wait3A_343 : memref<1x128xi32, #tpu.memory_space<hbm>> -> memref<128xi32, #tpu.memory_space<hbm>>
        %dma_wait3A_345 = arith.constant 0 : i32
        %dma_wait3A_346 = tpu.memref_slice %arg3[%dma_wait3A_341, %dma_wait3A_345] : memref<2x320000xi32, #tpu.memory_space<hbm>> -> memref<1x128xi32, #tpu.memory_space<hbm>>
        %dma_wait3A_347 = tpu.memref_squeeze %dma_wait3A_346 : memref<1x128xi32, #tpu.memory_space<hbm>> -> memref<128xi32, #tpu.memory_space<hbm>>
        tpu.wait_dma2 semaphore(%arg21 : memref<!tpu.dma_semaphore, #tpu.memory_space<semaphore_mem>>) src(%dma_wait3A_347 : memref<128xi32, #tpu.memory_space<hbm>>) dst(%arg11 : memref<128xi32, #tpu.memory_space<vmem>>)
        %dma_start3A_348 = arith.constant 0 : i32
        %dma_start3A_349 = arith.constant 0 : i32
        %dma_start3A_350 = tpu.memref_slice %arg2[%dma_start3A_348, %dma_start3A_349] : memref<10000x128xf32, #tpu.memory_space<hbm>> -> memref<10000x128xf32, #tpu.memory_space<hbm>>
        tpu.enqueue_indirect_dma source(%dma_start3A_350 : memref<10000x128xf32, #tpu.memory_space<hbm>>) target(%arg17 : memref<128x128xf32, #tpu.memory_space<vmem>>) offsets(%arg5 : memref<128xi32, #tpu.memory_space<vmem>>) semaphore(%arg27 : memref<!tpu.dma_semaphore, #tpu.memory_space<semaphore_mem>>)
      } else {
      }
      %dma_wait3A_318 = arith.constant 0 : i32
      %dma_wait3A_319 = arith.constant 0 : i32
      %dma_wait3A_320 = tpu.memref_slice %arg2[%dma_wait3A_318, %dma_wait3A_319] : memref<10000x128xf32, #tpu.memory_space<hbm>> -> memref<10000x128xf32, #tpu.memory_space<hbm>>
      tpu.wait_indirect_dma semaphore(%arg29 : memref<!tpu.dma_semaphore, #tpu.memory_space<semaphore_mem>>) src(%dma_wait3A_320 : memref<10000x128xf32, #tpu.memory_space<hbm>>) dst(%arg19 : memref<128x128xf32, #tpu.memory_space<vmem>>)
      %dma_start3A_321 = arith.constant 0 : i32
      %dma_start3A_322 = arith.constant 0 : i32
      %dma_start3A_323 = tpu.memref_slice %arg20[%dma_start3A_321, %dma_start3A_322] : memref<10000x128xf32, #tpu.memory_space<vmem_shared>> -> memref<10000x128xf32, #tpu.memory_space<vmem_shared>>
      tpu.enqueue_indirect_dma source(%arg19 : memref<128x128xf32, #tpu.memory_space<vmem>>) target(%dma_start3A_323 : memref<10000x128xf32, #tpu.memory_space<vmem_shared>>) offsets(%arg16 : memref<128xi32, #tpu.memory_space<vmem>>) semaphore(%arg32 : memref<!tpu.dma_semaphore, #tpu.memory_space<semaphore_mem>>) {add = true}
      %add3A_324 = arith.constant 3 : i32
      %add3A_325 = arith.addi %add3A_307, %add3A_324 : i32
      %lt3A_326 = arith.constant 78 : i32
      %lt3A_327 = arith.cmpi slt, %add3A_325, %lt3A_326 : i32
      %convert_element_type3A_328 = arith.extui %lt3A_327 : i1 to i32
      %cond3A_329 = arith.constant 0 : i32
      %cond3A_330 = arith.cmpi ne, %convert_element_type3A_328, %cond3A_329 : i32
      scf.if %cond3A_330 {
        %add3A_331 = arith.constant 3 : i32
        %add3A_332 = arith.addi %add3A_307, %add3A_331 : i32
        %add3A_333 = arith.addi %mul3A_2, %add3A_332 : i32
        %mul3A_334 = arith.constant 128 : i32
        %mul3A_335 = arith.muli %add3A_333, %mul3A_334 : i32
        %dma_start3A_336 = arith.constant 0 : i32
        %dma_start3A_337 = tpu.memref_slice %arg3[%dma_start3A_336, %mul3A_335] : memref<2x320000xi32, #tpu.memory_space<hbm>> -> memref<1x128xi32, #tpu.memory_space<hbm>>
        %dma_start3A_338 = tpu.memref_squeeze %dma_start3A_337 : memref<1x128xi32, #tpu.memory_space<hbm>> -> memref<128xi32, #tpu.memory_space<hbm>>
        %dma_start3A_339 = tpu.memref_slice %arg3[%dma_start3A_336, %mul3A_335] : memref<2x320000xi32, #tpu.memory_space<hbm>> -> memref<1x128xi32, #tpu.memory_space<hbm>>
        %dma_start3A_340 = tpu.memref_squeeze %dma_start3A_339 : memref<1x128xi32, #tpu.memory_space<hbm>> -> memref<128xi32, #tpu.memory_space<hbm>>
        tpu.enqueue_dma source(%dma_start3A_340 : memref<128xi32, #tpu.memory_space<hbm>>) target(%arg7 : memref<128xi32, #tpu.memory_space<vmem>>) target_semaphore(%arg23 : memref<!tpu.dma_semaphore, #tpu.memory_space<semaphore_mem>>)
        %dma_start3A_341 = arith.constant 1 : i32
        %dma_start3A_342 = tpu.memref_slice %arg3[%dma_start3A_341, %mul3A_335] : memref<2x320000xi32, #tpu.memory_space<hbm>> -> memref<1x128xi32, #tpu.memory_space<hbm>>
        %dma_start3A_343 = tpu.memref_squeeze %dma_start3A_342 : memref<1x128xi32, #tpu.memory_space<hbm>> -> memref<128xi32, #tpu.memory_space<hbm>>
        %dma_start3A_344 = tpu.memref_slice %arg3[%dma_start3A_341, %mul3A_335] : memref<2x320000xi32, #tpu.memory_space<hbm>> -> memref<1x128xi32, #tpu.memory_space<hbm>>
        %dma_start3A_345 = tpu.memref_squeeze %dma_start3A_344 : memref<1x128xi32, #tpu.memory_space<hbm>> -> memref<128xi32, #tpu.memory_space<hbm>>
        tpu.enqueue_dma source(%dma_start3A_345 : memref<128xi32, #tpu.memory_space<hbm>>) target(%arg13 : memref<128xi32, #tpu.memory_space<vmem>>) target_semaphore(%arg23 : memref<!tpu.dma_semaphore, #tpu.memory_space<semaphore_mem>>)
      } else {
      }
    }
    %scan3A_157 = arith.constant 13 : i32
    %dma_wait3A_158 = arith.constant 0 : i32
    %dma_wait3A_159 = arith.constant 0 : i32
    %dma_wait3A_160 = tpu.memref_slice %arg20[%dma_wait3A_158, %dma_wait3A_159] : memref<10000x128xf32, #tpu.memory_space<vmem_shared>> -> memref<10000x128xf32, #tpu.memory_space<vmem_shared>>
    tpu.wait_indirect_dma semaphore(%arg30 : memref<!tpu.dma_semaphore, #tpu.memory_space<semaphore_mem>>) src(%arg17 : memref<128x128xf32, #tpu.memory_space<vmem>>) dst(%dma_wait3A_160 : memref<10000x128xf32, #tpu.memory_space<vmem_shared>>)
    %dma_wait3A_161 = arith.constant 0 : i32
    %dma_wait3A_162 = arith.constant 0 : i32
    %dma_wait3A_163 = tpu.memref_slice %arg20[%dma_wait3A_161, %dma_wait3A_162] : memref<10000x128xf32, #tpu.memory_space<vmem_shared>> -> memref<10000x128xf32, #tpu.memory_space<vmem_shared>>
    tpu.wait_indirect_dma semaphore(%arg31 : memref<!tpu.dma_semaphore, #tpu.memory_space<semaphore_mem>>) src(%arg18 : memref<128x128xf32, #tpu.memory_space<vmem>>) dst(%dma_wait3A_163 : memref<10000x128xf32, #tpu.memory_space<vmem_shared>>)
    %dma_wait3A_164 = arith.constant 0 : i32
    %dma_wait3A_165 = arith.constant 0 : i32
    %dma_wait3A_166 = tpu.memref_slice %arg20[%dma_wait3A_164, %dma_wait3A_165] : memref<10000x128xf32, #tpu.memory_space<vmem_shared>> -> memref<10000x128xf32, #tpu.memory_space<vmem_shared>>
    tpu.wait_indirect_dma semaphore(%arg32 : memref<!tpu.dma_semaphore, #tpu.memory_space<semaphore_mem>>) src(%arg19 : memref<128x128xf32, #tpu.memory_space<vmem>>) dst(%dma_wait3A_166 : memref<10000x128xf32, #tpu.memory_space<vmem_shared>>)
    %lt3A = arith.constant 4 : i32
    %lt3A_167 = arith.cmpi slt, %add3A, %lt3A : i32
    %convert_element_type3A = arith.extui %lt3A_167 : i1 to i32
    %cond3A = arith.constant 0 : i32
    %cond3A_168 = arith.cmpi ne, %convert_element_type3A, %cond3A : i32
    scf.if %cond3A_168 {
      %add3A_170 = arith.constant 2496 : i32
      %add3A_171 = arith.addi %add3A_170, %add3A : i32
      %mul3A_172 = arith.constant 128 : i32
      %mul3A_173 = arith.muli %add3A_171, %mul3A_172 : i32
      %dma_start3A_174 = arith.constant 0 : i32
      %dma_start3A_175 = tpu.memref_slice %arg3[%dma_start3A_174, %mul3A_173] : memref<2x320000xi32, #tpu.memory_space<hbm>> -> memref<1x128xi32, #tpu.memory_space<hbm>>
      %dma_start3A_176 = tpu.memref_squeeze %dma_start3A_175 : memref<1x128xi32, #tpu.memory_space<hbm>> -> memref<128xi32, #tpu.memory_space<hbm>>
      %dma_start3A_177 = tpu.memref_slice %arg3[%dma_start3A_174, %mul3A_173] : memref<2x320000xi32, #tpu.memory_space<hbm>> -> memref<1x128xi32, #tpu.memory_space<hbm>>
      %dma_start3A_178 = tpu.memref_squeeze %dma_start3A_177 : memref<1x128xi32, #tpu.memory_space<hbm>> -> memref<128xi32, #tpu.memory_space<hbm>>
      tpu.enqueue_dma source(%dma_start3A_178 : memref<128xi32, #tpu.memory_space<hbm>>) target(%arg5 : memref<128xi32, #tpu.memory_space<vmem>>) target_semaphore(%arg21 : memref<!tpu.dma_semaphore, #tpu.memory_space<semaphore_mem>>)
      %dma_start3A_179 = arith.constant 1 : i32
      %dma_start3A_180 = tpu.memref_slice %arg3[%dma_start3A_179, %mul3A_173] : memref<2x320000xi32, #tpu.memory_space<hbm>> -> memref<1x128xi32, #tpu.memory_space<hbm>>
      %dma_start3A_181 = tpu.memref_squeeze %dma_start3A_180 : memref<1x128xi32, #tpu.memory_space<hbm>> -> memref<128xi32, #tpu.memory_space<hbm>>
      %dma_start3A_182 = tpu.memref_slice %arg3[%dma_start3A_179, %mul3A_173] : memref<2x320000xi32, #tpu.memory_space<hbm>> -> memref<1x128xi32, #tpu.memory_space<hbm>>
      %dma_start3A_183 = tpu.memref_squeeze %dma_start3A_182 : memref<1x128xi32, #tpu.memory_space<hbm>> -> memref<128xi32, #tpu.memory_space<hbm>>
      tpu.enqueue_dma source(%dma_start3A_183 : memref<128xi32, #tpu.memory_space<hbm>>) target(%arg11 : memref<128xi32, #tpu.memory_space<vmem>>) target_semaphore(%arg21 : memref<!tpu.dma_semaphore, #tpu.memory_space<semaphore_mem>>)
      %dma_wait3A_184 = arith.constant 0 : i32
      %dma_wait3A_185 = arith.constant 0 : i32
      %dma_wait3A_186 = tpu.memref_slice %arg3[%dma_wait3A_184, %dma_wait3A_185] : memref<2x320000xi32, #tpu.memory_space<hbm>> -> memref<1x128xi32, #tpu.memory_space<hbm>>
      %dma_wait3A_187 = tpu.memref_squeeze %dma_wait3A_186 : memref<1x128xi32, #tpu.memory_space<hbm>> -> memref<128xi32, #tpu.memory_space<hbm>>
      %dma_wait3A_188 = arith.constant 0 : i32
      %dma_wait3A_189 = tpu.memref_slice %arg3[%dma_wait3A_184, %dma_wait3A_188] : memref<2x320000xi32, #tpu.memory_space<hbm>> -> memref<1x128xi32, #tpu.memory_space<hbm>>
      %dma_wait3A_190 = tpu.memref_squeeze %dma_wait3A_189 : memref<1x128xi32, #tpu.memory_space<hbm>> -> memref<128xi32, #tpu.memory_space<hbm>>
      tpu.wait_dma2 semaphore(%arg21 : memref<!tpu.dma_semaphore, #tpu.memory_space<semaphore_mem>>) src(%dma_wait3A_190 : memref<128xi32, #tpu.memory_space<hbm>>) dst(%arg5 : memref<128xi32, #tpu.memory_space<vmem>>)
      %dma_wait3A_191 = arith.constant 1 : i32
      %dma_wait3A_192 = arith.constant 0 : i32
      %dma_wait3A_193 = tpu.memref_slice %arg3[%dma_wait3A_191, %dma_wait3A_192] : memref<2x320000xi32, #tpu.memory_space<hbm>> -> memref<1x128xi32, #tpu.memory_space<hbm>>
      %dma_wait3A_194 = tpu.memref_squeeze %dma_wait3A_193 : memref<1x128xi32, #tpu.memory_space<hbm>> -> memref<128xi32, #tpu.memory_space<hbm>>
      %dma_wait3A_195 = arith.constant 0 : i32
      %dma_wait3A_196 = tpu.memref_slice %arg3[%dma_wait3A_191, %dma_wait3A_195] : memref<2x320000xi32, #tpu.memory_space<hbm>> -> memref<1x128xi32, #tpu.memory_space<hbm>>
      %dma_wait3A_197 = tpu.memref_squeeze %dma_wait3A_196 : memref<1x128xi32, #tpu.memory_space<hbm>> -> memref<128xi32, #tpu.memory_space<hbm>>
      tpu.wait_dma2 semaphore(%arg21 : memref<!tpu.dma_semaphore, #tpu.memory_space<semaphore_mem>>) src(%dma_wait3A_197 : memref<128xi32, #tpu.memory_space<hbm>>) dst(%arg11 : memref<128xi32, #tpu.memory_space<vmem>>)
      %dma_start3A_198 = arith.constant 0 : i32
      %dma_start3A_199 = arith.constant 0 : i32
      %dma_start3A_200 = tpu.memref_slice %arg2[%dma_start3A_198, %dma_start3A_199] : memref<10000x128xf32, #tpu.memory_space<hbm>> -> memref<10000x128xf32, #tpu.memory_space<hbm>>
      tpu.enqueue_indirect_dma source(%dma_start3A_200 : memref<10000x128xf32, #tpu.memory_space<hbm>>) target(%arg17 : memref<128x128xf32, #tpu.memory_space<vmem>>) offsets(%arg5 : memref<128xi32, #tpu.memory_space<vmem>>) semaphore(%arg27 : memref<!tpu.dma_semaphore, #tpu.memory_space<semaphore_mem>>)
      %dma_wait3A_201 = arith.constant 0 : i32
      %dma_wait3A_202 = arith.constant 0 : i32
      %dma_wait3A_203 = tpu.memref_slice %arg2[%dma_wait3A_201, %dma_wait3A_202] : memref<10000x128xf32, #tpu.memory_space<hbm>> -> memref<10000x128xf32, #tpu.memory_space<hbm>>
      tpu.wait_indirect_dma semaphore(%arg27 : memref<!tpu.dma_semaphore, #tpu.memory_space<semaphore_mem>>) src(%dma_wait3A_203 : memref<10000x128xf32, #tpu.memory_space<hbm>>) dst(%arg17 : memref<128x128xf32, #tpu.memory_space<vmem>>)
      "tpu.region"() ({
        %run_scoped3A = tpu.sem_alloc : memref<!tpu.dma_semaphore, #tpu.memory_space<semaphore_mem>>
        %dma_start3A_204 = arith.constant 0 : i32
        %dma_start3A_205 = arith.constant 0 : i32
        %dma_start3A_206 = tpu.memref_slice %arg20[%dma_start3A_204, %dma_start3A_205] : memref<10000x128xf32, #tpu.memory_space<vmem_shared>> -> memref<10000x128xf32, #tpu.memory_space<vmem_shared>>
        tpu.enqueue_indirect_dma source(%arg17 : memref<128x128xf32, #tpu.memory_space<vmem>>) target(%dma_start3A_206 : memref<10000x128xf32, #tpu.memory_space<vmem_shared>>) offsets(%arg11 : memref<128xi32, #tpu.memory_space<vmem>>) semaphore(%run_scoped3A : memref<!tpu.dma_semaphore, #tpu.memory_space<semaphore_mem>>) {add = true}
        %dma_wait3A_207 = arith.constant 0 : i32
        %dma_wait3A_208 = arith.constant 0 : i32
        %dma_wait3A_209 = tpu.memref_slice %arg20[%dma_wait3A_207, %dma_wait3A_208] : memref<10000x128xf32, #tpu.memory_space<vmem_shared>> -> memref<10000x128xf32, #tpu.memory_space<vmem_shared>>
        tpu.wait_indirect_dma semaphore(%run_scoped3A : memref<!tpu.dma_semaphore, #tpu.memory_space<semaphore_mem>>) src(%arg17 : memref<128x128xf32, #tpu.memory_space<vmem>>) dst(%dma_wait3A_209 : memref<10000x128xf32, #tpu.memory_space<vmem_shared>>)
        tpu.yield
      }) : () -> ()
    } else {
    }
    %barrier3A_169 = arith.constant 0 : index
    tpu.barrier barrier_id(%barrier3A_169)
    "tpu.region"() ({
      %run_scoped3A = tpu.sem_alloc : memref<!tpu.dma_semaphore, #tpu.memory_space<semaphore_mem>>
      %dma_start3A_170 = arith.constant 0 : i32
      %dma_start3A_171 = tpu.memref_slice %arg4[%arg0, %min3A_5, %dma_start3A_170] : memref<2x10000x128xf32, #tpu.memory_space<hbm>> -> memref<1x640x128xf32, #tpu.memory_space<hbm>>
      %dma_start3A_172 = tpu.memref_squeeze %dma_start3A_171 : memref<1x640x128xf32, #tpu.memory_space<hbm>> -> memref<640x128xf32, #tpu.memory_space<hbm>>
      %dma_start3A_173 = arith.constant 0 : i32
      %dma_start3A_174 = tpu.memref_slice %arg20[%min3A_5, %dma_start3A_173] : memref<10000x128xf32, #tpu.memory_space<vmem_shared>> -> memref<640x128xf32, #tpu.memory_space<vmem_shared>>
      tpu.enqueue_dma source(%dma_start3A_174 : memref<640x128xf32, #tpu.memory_space<vmem_shared>>) target(%dma_start3A_172 : memref<640x128xf32, #tpu.memory_space<hbm>>) target_semaphore(%run_scoped3A : memref<!tpu.dma_semaphore, #tpu.memory_space<semaphore_mem>>)
      %dma_wait3A_175 = arith.constant 0 : i32
      %dma_wait3A_176 = tpu.memref_slice %arg4[%arg0, %min3A_5, %dma_wait3A_175] : memref<2x10000x128xf32, #tpu.memory_space<hbm>> -> memref<1x640x128xf32, #tpu.memory_space<hbm>>
      %dma_wait3A_177 = tpu.memref_squeeze %dma_wait3A_176 : memref<1x640x128xf32, #tpu.memory_space<hbm>> -> memref<640x128xf32, #tpu.memory_space<hbm>>
      %dma_wait3A_178 = arith.constant 0 : i32
      %dma_wait3A_179 = tpu.memref_slice %arg20[%min3A_5, %dma_wait3A_178] : memref<10000x128xf32, #tpu.memory_space<vmem_shared>> -> memref<640x128xf32, #tpu.memory_space<vmem_shared>>
      tpu.wait_dma2 semaphore(%run_scoped3A : memref<!tpu.dma_semaphore, #tpu.memory_space<semaphore_mem>>) src(%dma_wait3A_179 : memref<640x128xf32, #tpu.memory_space<vmem_shared>>) dst(%dma_wait3A_177 : memref<640x128xf32, #tpu.memory_space<hbm>>)
      tpu.yield
    }) : () -> ()
    return
  }
}

module attributes {stable_mosaic.version = 14 : i64} {
  func.func @_tc_body(%arg0: i32, %arg1: memref<129xi32, #tpu.memory_space<smem>>, %arg2: memref<1xf32, #tpu.memory_space<smem>>, %arg3: memref<2000x128xf32, #tpu.memory_space<vmem>>, %arg4: memref<2x2000x128xf32, #tpu.memory_space<vmem>>, %arg5: memref<128x256xf32, #tpu.memory_space<vmem>>, %arg6: memref<1x256xf32, #tpu.memory_space<vmem>>, %arg7: memref<256x256xf32, #tpu.memory_space<vmem>>, %arg8: memref<1x256xf32, #tpu.memory_space<vmem>>, %arg9: memref<1x256xf32, #tpu.memory_space<vmem>>, %arg10: memref<1x256xf32, #tpu.memory_space<vmem>>, %arg11: memref<512x256xf32, #tpu.memory_space<vmem>>, %arg12: memref<1x256xf32, #tpu.memory_space<vmem>>, %arg13: memref<256x10xf32, #tpu.memory_space<vmem>>, %arg14: memref<1x10xf32, #tpu.memory_space<vmem>>, %arg15: memref<128x10xf32, #tpu.memory_space<vmem>>, %arg16: memref<10000x256xf32, #tpu.memory_space<vmem>>, %arg17: memref<8x256xf32, #tpu.memory_space<vmem>>, %arg18: memref<128x512xf32, #tpu.memory_space<vmem>>) attributes {dimension_semantics = [#tpu.dimension_semantics<arbitrary>], iteration_bounds = array<i64: 6>, scalar_prefetch = 1 : i64, scratch_operands = 3 : i64, tpu.core_type = #tpu.core_type<tc>, window_params = [{transform_indices = @transform_0, window_bounds = array<i64: 1>}, {transform_indices = @transform_1, window_bounds = array<i64: 2000, 128>}, {transform_indices = @transform_2, window_bounds = array<i64: 2, 2000, 128>}, {pipeline_mode = #tpu.pipeline_mode<synchronous>, transform_indices = @transform_3, window_bounds = array<i64: 128, 256>}, {pipeline_mode = #tpu.pipeline_mode<synchronous>, transform_indices = @transform_4, window_bounds = array<i64: 1, 256>}, {pipeline_mode = #tpu.pipeline_mode<synchronous>, transform_indices = @transform_5, window_bounds = array<i64: 256, 256>}, {pipeline_mode = #tpu.pipeline_mode<synchronous>, transform_indices = @transform_6, window_bounds = array<i64: 1, 256>}, {pipeline_mode = #tpu.pipeline_mode<synchronous>, transform_indices = @transform_7, window_bounds = array<i64: 1, 256>}, {pipeline_mode = #tpu.pipeline_mode<synchronous>, transform_indices = @transform_8, window_bounds = array<i64: 1, 256>}, {pipeline_mode = #tpu.pipeline_mode<synchronous>, transform_indices = @transform_9, window_bounds = array<i64: 512, 256>}, {pipeline_mode = #tpu.pipeline_mode<synchronous>, transform_indices = @transform_10, window_bounds = array<i64: 1, 256>}, {pipeline_mode = #tpu.pipeline_mode<synchronous>, transform_indices = @transform_11, window_bounds = array<i64: 256, 10>}, {pipeline_mode = #tpu.pipeline_mode<synchronous>, transform_indices = @transform_12, window_bounds = array<i64: 1, 10>}, {pipeline_mode = #tpu.pipeline_mode<synchronous>, transform_indices = @transform_13, window_bounds = array<i64: 128, 10>}]} {
    %lt3A = arith.constant 5 : i32
    %lt3A_0 = arith.cmpi slt, %arg0, %lt3A : i32
    %convert_element_type3A = arith.extui %lt3A_0 : i1 to i32
    %cond3A = arith.constant 0 : i32
    %cond3A_1 = arith.cmpi ne, %convert_element_type3A, %cond3A : i32
    scf.if %cond3A_1 {
      %get3A = arith.constant 0 : index
      %get3A_6 = memref.load %arg2[%get3A] : memref<1xf32, #tpu.memory_space<smem>>
      %get3A_7 = arith.constant 0 : index
      %get3A_8 = arith.constant 0 : index
      %get3A_9 = vector.load %arg3[%get3A_7, %get3A_8] : memref<2000x128xf32, #tpu.memory_space<vmem>>, vector<2000x128xf32>
      %add3A = arith.constant 1.000000e+00 : f32
      %add3A_10 = arith.addf %add3A, %get3A_6 : f32
      %mul3A = vector.broadcast %add3A_10 : f32 to vector<2000x128xf32>
      %mul3A_11 = arith.mulf %get3A_9, %mul3A : vector<2000x128xf32>
      %get3A_12 = arith.constant 0 : index
      %get3A_13 = arith.constant 0 : index
      %get3A_14 = arith.constant 0 : index
      %get3A_15 = vector.load %arg4[%get3A_12, %get3A_13, %get3A_14] : memref<2x2000x128xf32, #tpu.memory_space<vmem>>, vector<1x2000x128xf32>
      %get3A_16 = vector.shape_cast %get3A_15 : vector<1x2000x128xf32> to vector<2000x128xf32>
      %add3A_17 = arith.addf %mul3A_11, %get3A_16 : vector<2000x128xf32>
      %get3A_18 = arith.constant 1 : index
      %get3A_19 = arith.constant 0 : index
      %get3A_20 = arith.constant 0 : index
      %get3A_21 = vector.load %arg4[%get3A_18, %get3A_19, %get3A_20] : memref<2x2000x128xf32, #tpu.memory_space<vmem>>, vector<1x2000x128xf32>
      %get3A_22 = vector.shape_cast %get3A_21 : vector<1x2000x128xf32> to vector<2000x128xf32>
      %add3A_23 = arith.addf %add3A_17, %get3A_22 : vector<2000x128xf32>
      %get3A_24 = arith.constant 0 : index
      %get3A_25 = arith.constant 0 : index
      %get3A_26 = vector.load %arg5[%get3A_24, %get3A_25] : memref<128x256xf32, #tpu.memory_space<vmem>>, vector<128x256xf32>
      %dot_general3A = arith.constant dense<0.000000e+00> : vector<2000x256xf32>
      %dot_general3A_27 = tpu.matmul %add3A_23, %get3A_26, %dot_general3A {dimension_numbers = #tpu.dot_dimension_numbers<[1], [0], [0], [1], [0, 0, 1, 1], [], []>, transpose_lhs_hint = false} : vector<2000x128xf32>, vector<128x256xf32>, vector<2000x256xf32> -> vector<2000x256xf32>
      %get3A_28 = arith.constant 0 : index
      %get3A_29 = arith.constant 0 : index
      %get3A_30 = vector.load %arg6[%get3A_28, %get3A_29] : memref<1x256xf32, #tpu.memory_space<vmem>>, vector<1x256xf32>
      %add3A_31 = vector.broadcast %get3A_30 : vector<1x256xf32> to vector<2000x256xf32>
      %add3A_32 = arith.addf %dot_general3A_27, %add3A_31 : vector<2000x256xf32>
      %max3A = arith.constant 0.000000e+00 : f32
      %max3A_33 = vector.broadcast %max3A : f32 to vector<2000x256xf32>
      %max3A_34 = arith.maximumf %add3A_32, %max3A_33 : vector<2000x256xf32>
      %get3A_35 = arith.constant 0 : index
      %get3A_36 = arith.constant 0 : index
      %get3A_37 = vector.load %arg7[%get3A_35, %get3A_36] : memref<256x256xf32, #tpu.memory_space<vmem>>, vector<256x256xf32>
      %dot_general3A_38 = arith.constant dense<0.000000e+00> : vector<2000x256xf32>
      %dot_general3A_39 = tpu.matmul %max3A_34, %get3A_37, %dot_general3A_38 {dimension_numbers = #tpu.dot_dimension_numbers<[1], [0], [0], [1], [0, 0, 1, 1], [], []>, transpose_lhs_hint = false} : vector<2000x256xf32>, vector<256x256xf32>, vector<2000x256xf32> -> vector<2000x256xf32>
      %get3A_40 = arith.constant 0 : index
      %get3A_41 = arith.constant 0 : index
      %get3A_42 = vector.load %arg8[%get3A_40, %get3A_41] : memref<1x256xf32, #tpu.memory_space<vmem>>, vector<1x256xf32>
      %add3A_43 = vector.broadcast %get3A_42 : vector<1x256xf32> to vector<2000x256xf32>
      %add3A_44 = arith.addf %dot_general3A_39, %add3A_43 : vector<2000x256xf32>
      %mul3A_45 = arith.constant 2000 : i32
      %mul3A_46 = arith.muli %arg0, %mul3A_45 : i32
      %swap3A = arith.index_cast %mul3A_46 : i32 to index
      %swap3A_47 = arith.constant 0 : index
      %swap3A_48 = vector.load %arg16[%swap3A, %swap3A_47] : memref<10000x256xf32, #tpu.memory_space<vmem>>, vector<2000x256xf32>
      tpu.vector_store %arg16[%swap3A, %swap3A_47], %add3A_44 {strides = array<i32>} : memref<10000x256xf32, #tpu.memory_space<vmem>>, vector<2000x256xf32>,
      %eq3A_49 = arith.constant 0 : i32
      %eq3A_50 = arith.cmpi eq, %arg0, %eq3A_49 : i32
      %convert_element_type3A_51 = arith.extui %eq3A_50 : i1 to i32
      %cond3A_52 = arith.constant 0 : i32
      %cond3A_53 = arith.cmpi ne, %convert_element_type3A_51, %cond3A_52 : i32
      scf.if %cond3A_53 {
        %broadcast_in_dim3A_73 = arith.constant 0.000000e+00 : f32
        %broadcast_in_dim3A_74 = vector.broadcast %broadcast_in_dim3A_73 : f32 to vector<8x256xf32>
        %swap3A_75 = arith.constant 0 : index
        %swap3A_76 = arith.constant 0 : index
        %swap3A_77 = vector.load %arg17[%swap3A_75, %swap3A_76] : memref<8x256xf32, #tpu.memory_space<vmem>>, vector<8x256xf32>
        tpu.vector_store %arg17[%swap3A_75, %swap3A_76], %broadcast_in_dim3A_74 {strides = array<i32>} : memref<8x256xf32, #tpu.memory_space<vmem>>, vector<8x256xf32>,
      } else {
      }
      %get3A_54 = arith.constant 0 : index
      %get3A_55 = arith.constant 0 : index
      %get3A_56 = vector.load %arg17[%get3A_54, %get3A_55] : memref<8x256xf32, #tpu.memory_space<vmem>>, vector<1x256xf32>
      %reduce_sum3A = arith.constant dense<0.000000e+00> : vector<256xf32>
      %reduce_sum3A_57 = vector.multi_reduction <add>, %add3A_44, %reduce_sum3A [0] : vector<2000x256xf32> to vector<256xf32>
      %broadcast_in_dim3A = vector.shape_cast %reduce_sum3A_57 : vector<256xf32> to vector<1x256xf32>
      %add3A_58 = arith.addf %get3A_56, %broadcast_in_dim3A : vector<1x256xf32>
      %swap3A_59 = arith.constant 0 : index
      %swap3A_60 = arith.constant 0 : index
      %swap3A_61 = vector.load %arg17[%swap3A_59, %swap3A_60] : memref<8x256xf32, #tpu.memory_space<vmem>>, vector<1x256xf32>
      tpu.vector_store %arg17[%swap3A_59, %swap3A_60], %add3A_58 {strides = array<i32>} : memref<8x256xf32, #tpu.memory_space<vmem>>, vector<1x256xf32>,
      %get3A_62 = arith.constant 1 : index
      %get3A_63 = arith.constant 0 : index
      %get3A_64 = vector.load %arg17[%get3A_62, %get3A_63] : memref<8x256xf32, #tpu.memory_space<vmem>>, vector<1x256xf32>
      %mul3A_65 = arith.mulf %add3A_44, %add3A_44 : vector<2000x256xf32>
      %reduce_sum3A_66 = arith.constant dense<0.000000e+00> : vector<256xf32>
      %reduce_sum3A_67 = vector.multi_reduction <add>, %mul3A_65, %reduce_sum3A_66 [0] : vector<2000x256xf32> to vector<256xf32>
      %broadcast_in_dim3A_68 = vector.shape_cast %reduce_sum3A_67 : vector<256xf32> to vector<1x256xf32>
      %add3A_69 = arith.addf %get3A_64, %broadcast_in_dim3A_68 : vector<1x256xf32>
      %swap3A_70 = arith.constant 1 : index
      %swap3A_71 = arith.constant 0 : index
      %swap3A_72 = vector.load %arg17[%swap3A_70, %swap3A_71] : memref<8x256xf32, #tpu.memory_space<vmem>>, vector<1x256xf32>
      tpu.vector_store %arg17[%swap3A_70, %swap3A_71], %add3A_69 {strides = array<i32>} : memref<8x256xf32, #tpu.memory_space<vmem>>, vector<1x256xf32>,
    } else {
    }
    %eq3A = arith.constant 5 : i32
    %eq3A_2 = arith.cmpi eq, %arg0, %eq3A : i32
    %convert_element_type3A_3 = arith.extui %eq3A_2 : i1 to i32
    %cond3A_4 = arith.constant 0 : i32
    %cond3A_5 = arith.cmpi ne, %convert_element_type3A_3, %cond3A_4 : i32
    scf.if %cond3A_5 {
      %get3A = arith.constant 0 : index
      %get3A_6 = arith.constant 0 : index
      %get3A_7 = vector.load %arg17[%get3A, %get3A_6] : memref<8x256xf32, #tpu.memory_space<vmem>>, vector<1x256xf32>
      %mul3A = arith.constant 9.99999974E-5 : f32
      %mul3A_8 = vector.broadcast %mul3A : f32 to vector<1x256xf32>
      %mul3A_9 = arith.mulf %get3A_7, %mul3A_8 : vector<1x256xf32>
      %get3A_10 = arith.constant 1 : index
      %get3A_11 = arith.constant 0 : index
      %get3A_12 = vector.load %arg17[%get3A_10, %get3A_11] : memref<8x256xf32, #tpu.memory_space<vmem>>, vector<1x256xf32>
      %mul3A_13 = arith.constant 9.99999974E-5 : f32
      %mul3A_14 = vector.broadcast %mul3A_13 : f32 to vector<1x256xf32>
      %mul3A_15 = arith.mulf %get3A_12, %mul3A_14 : vector<1x256xf32>
      %mul3A_16 = arith.mulf %mul3A_9, %mul3A_9 : vector<1x256xf32>
      %sub3A = arith.subf %mul3A_15, %mul3A_16 : vector<1x256xf32>
      %get3A_17 = arith.constant 0 : index
      %get3A_18 = arith.constant 0 : index
      %get3A_19 = vector.load %arg9[%get3A_17, %get3A_18] : memref<1x256xf32, #tpu.memory_space<vmem>>, vector<1x256xf32>
      %add3A = arith.constant 9.99999974E-6 : f32
      %add3A_20 = vector.broadcast %add3A : f32 to vector<1x256xf32>
      %add3A_21 = arith.addf %sub3A, %add3A_20 : vector<1x256xf32>
      %rsqrt3A = math.rsqrt %add3A_21 : vector<1x256xf32>
      %mul3A_22 = arith.mulf %get3A_19, %rsqrt3A : vector<1x256xf32>
      %get3A_23 = arith.constant 0 : index
      %get3A_24 = arith.constant 0 : index
      %get3A_25 = vector.load %arg10[%get3A_23, %get3A_24] : memref<1x256xf32, #tpu.memory_space<vmem>>, vector<1x256xf32>
      %mul3A_26 = arith.mulf %mul3A_9, %mul3A_22 : vector<1x256xf32>
      %sub3A_27 = arith.subf %get3A_25, %mul3A_26 : vector<1x256xf32>
      %scan3A = arith.constant 0 : i32
      %scan3A_28 = arith.constant 128 : i32
      %scan3A_29 = arith.addi %scan3A, %scan3A_28 : i32
      %scan3A_30 = arith.constant 1 : i32
      scf.for %scan3A_58 = %scan3A to %scan3A_29 step %scan3A_30  : i32 {
        %get3A_59 = arith.index_cast %scan3A_58 : i32 to index
        %get3A_60 = memref.load %arg1[%get3A_59] : memref<129xi32, #tpu.memory_space<smem>>
        %add3A_61 = arith.constant 1 : i32
        %add3A_62 = arith.addi %scan3A_58, %add3A_61 : i32
        %get3A_63 = arith.index_cast %add3A_62 : i32 to index
        %get3A_64 = memref.load %arg1[%get3A_63] : memref<129xi32, #tpu.memory_space<smem>>
        %sub3A_65 = arith.subi %get3A_64, %get3A_60 : i32
        %jit3A = arith.constant 8 : i32
        %div3A = arith.divsi %get3A_60, %jit3A : i32
        %sign3A = arith.constant 0 : i32
        %sign3A_66 = arith.cmpi sgt, %get3A_60, %sign3A : i32
        %sign3A_67 = arith.extui %sign3A_66 : i1 to i32
        %sign3A_68 = arith.constant 0 : i32
        %sign3A_69 = arith.cmpi slt, %get3A_60, %sign3A_68 : i32
        %sign3A_70 = arith.extui %sign3A_69 : i1 to i32
        %sign3A_71 = arith.subi %sign3A_67, %sign3A_70 : i32
        %sign3A_72 = arith.constant 0 : i32
        %sign3A_73 = arith.cmpi sgt, %jit3A, %sign3A_72 : i32
        %sign3A_74 = arith.extui %sign3A_73 : i1 to i32
        %sign3A_75 = arith.constant 0 : i32
        %sign3A_76 = arith.cmpi slt, %jit3A, %sign3A_75 : i32
        %sign3A_77 = arith.extui %sign3A_76 : i1 to i32
        %sign3A_78 = arith.subi %sign3A_74, %sign3A_77 : i32
        %ne3A = arith.cmpi ne, %sign3A_71, %sign3A_78 : i32
        %rem3A = arith.remsi %get3A_60, %jit3A : i32
        %ne3A_79 = arith.constant 0 : i32
        %ne3A_80 = arith.cmpi ne, %rem3A, %ne3A_79 : i32
        %and3A = arith.andi %ne3A, %ne3A_80 : i1
        %sub3A_81 = arith.constant 1 : i32
        %sub3A_82 = arith.subi %div3A, %sub3A_81 : i32
        %select_n3A = arith.select %and3A, %sub3A_82, %div3A : i32
        %mul3A_83 = arith.constant 8 : i32
        %mul3A_84 = arith.muli %select_n3A, %mul3A_83 : i32
        %sub3A_85 = arith.subi %get3A_64, %mul3A_84 : i32
        %add3A_86 = arith.constant 127 : i32
        %add3A_87 = arith.addi %sub3A_85, %add3A_86 : i32
        %jit3A_88 = arith.constant 128 : i32
        %div3A_89 = arith.divsi %add3A_87, %jit3A_88 : i32
        %sign3A_90 = arith.constant 0 : i32
        %sign3A_91 = arith.cmpi sgt, %add3A_87, %sign3A_90 : i32
        %sign3A_92 = arith.extui %sign3A_91 : i1 to i32
        %sign3A_93 = arith.constant 0 : i32
        %sign3A_94 = arith.cmpi slt, %add3A_87, %sign3A_93 : i32
        %sign3A_95 = arith.extui %sign3A_94 : i1 to i32
        %sign3A_96 = arith.subi %sign3A_92, %sign3A_95 : i32
        %sign3A_97 = arith.constant 0 : i32
        %sign3A_98 = arith.cmpi sgt, %jit3A_88, %sign3A_97 : i32
        %sign3A_99 = arith.extui %sign3A_98 : i1 to i32
        %sign3A_100 = arith.constant 0 : i32
        %sign3A_101 = arith.cmpi slt, %jit3A_88, %sign3A_100 : i32
        %sign3A_102 = arith.extui %sign3A_101 : i1 to i32
        %sign3A_103 = arith.subi %sign3A_99, %sign3A_102 : i32
        %ne3A_104 = arith.cmpi ne, %sign3A_96, %sign3A_103 : i32
        %rem3A_105 = arith.remsi %add3A_87, %jit3A_88 : i32
        %ne3A_106 = arith.constant 0 : i32
        %ne3A_107 = arith.cmpi ne, %rem3A_105, %ne3A_106 : i32
        %and3A_108 = arith.andi %ne3A_104, %ne3A_107 : i1
        %sub3A_109 = arith.constant 1 : i32
        %sub3A_110 = arith.subi %div3A_89, %sub3A_109 : i32
        %select_n3A_111 = arith.select %and3A_108, %sub3A_110, %div3A_89 : i32
        %broadcast_in_dim3A = arith.constant 0xFF800000 : f32
        %broadcast_in_dim3A_112 = vector.broadcast %broadcast_in_dim3A : f32 to vector<1x256xf32>
        %broadcast_in_dim3A_113 = arith.constant 0.000000e+00 : f32
        %broadcast_in_dim3A_114 = vector.broadcast %broadcast_in_dim3A_113 : f32 to vector<1x256xf32>
        %while3A = arith.constant 0 : i32
        %while3A_115 = arith.subi %select_n3A_111, %while3A : i32
        %while3A_116 = arith.addi %while3A, %while3A_115 : i32
        %while3A_117 = arith.constant 1 : i32
        %while3A_118 = arith.divsi %while3A_115, %while3A_117 : i32
        %while3A_119 = arith.muli %while3A_118, %while3A_117 : i32
        %while3A_120 = arith.addi %while3A, %while3A_119 : i32
        %while3A_121 = arith.constant 1 : i32
        %while3A_122:2 = scf.for %while3A_140 = %while3A to %while3A_120 step %while3A_121 iter_args(%while3A_141 = %broadcast_in_dim3A_112, %while3A_142 = %broadcast_in_dim3A_114) -> (vector<1x256xf32>, vector<1x256xf32>)  : i32 {
          %mul3A_143 = arith.constant 128 : i32
          %mul3A_144 = arith.muli %while3A_140, %mul3A_143 : i32
          %add3A_145 = arith.addi %mul3A_84, %mul3A_144 : i32
          %min3A = arith.constant 9872 : i32
          %min3A_146 = arith.minsi %add3A_145, %min3A : i32
          %multiple_of3A = tpu.assume_multiple %min3A_146, 8 : i32
          %get3A_147 = arith.index_cast %multiple_of3A : i32 to index
          %get3A_148 = arith.constant 0 : index
          %get3A_149 = vector.load %arg16[%get3A_147, %get3A_148] : memref<10000x256xf32, #tpu.memory_space<vmem>>, vector<128x256xf32>
          %iota3A = tpu.iota {dimensions = array<i32: 0>} : vector<128x1xi32>
          %add3A_150 = vector.broadcast %multiple_of3A : i32 to vector<128x1xi32>
          %add3A_151 = arith.addi %add3A_150, %iota3A : vector<128x1xi32>
          %max3A_152 = arith.maxsi %add3A_145, %get3A_60 : i32
          %ge3A = vector.broadcast %max3A_152 : i32 to vector<128x1xi32>
          %ge3A_153 = arith.cmpi sge, %add3A_151, %ge3A : vector<128x1xi32>
          %lt3A_154 = vector.broadcast %get3A_64 : i32 to vector<128x1xi32>
          %lt3A_155 = arith.cmpi slt, %add3A_151, %lt3A_154 : vector<128x1xi32>
          %and3A_156 = arith.andi %ge3A_153, %lt3A_155 : vector<128x1xi1>
          %jit3A_157 = arith.constant 0xFF800000 : f32
          %broadcast_in_dim3A_158 = vector.shape_cast %and3A_156 : vector<128x1xi1> to vector<128x1xi1>
          %broadcast_in_dim3A_159 = vector.broadcast %broadcast_in_dim3A_158 : vector<128x1xi1> to vector<128x256xi1>
          %broadcast_in_dim3A_160 = vector.broadcast %jit3A_157 : f32 to vector<128x256xf32>
          %select_n3A_161 = arith.select %broadcast_in_dim3A_159, %get3A_149, %broadcast_in_dim3A_160 : vector<128x256xi1>, vector<128x256xf32>
          %reduce_max3A = arith.constant dense<0xFF800000> : vector<256xf32>
          %reduce_max3A_162 = vector.multi_reduction <maximumf>, %select_n3A_161, %reduce_max3A [0] : vector<128x256xf32> to vector<256xf32>
          %broadcast_in_dim3A_163 = vector.shape_cast %reduce_max3A_162 : vector<256xf32> to vector<1x256xf32>
          %max3A_164 = arith.maximumf %while3A_141, %broadcast_in_dim3A_163 : vector<1x256xf32>
          %jit3A_165 = arith.constant 0.000000e+00 : f32
          %broadcast_in_dim3A_166 = vector.shape_cast %and3A_156 : vector<128x1xi1> to vector<128x1xi1>
          %broadcast_in_dim3A_167 = vector.broadcast %broadcast_in_dim3A_166 : vector<128x1xi1> to vector<128x256xi1>
          %broadcast_in_dim3A_168 = vector.broadcast %jit3A_165 : f32 to vector<128x256xf32>
          %select_n3A_169 = arith.select %broadcast_in_dim3A_167, %get3A_149, %broadcast_in_dim3A_168 : vector<128x256xi1>, vector<128x256xf32>
          %reduce_sum3A = arith.constant dense<0.000000e+00> : vector<256xf32>
          %reduce_sum3A_170 = vector.multi_reduction <add>, %select_n3A_169, %reduce_sum3A [0] : vector<128x256xf32> to vector<256xf32>
          %broadcast_in_dim3A_171 = vector.shape_cast %reduce_sum3A_170 : vector<256xf32> to vector<1x256xf32>
          %add3A_172 = arith.addf %while3A_142, %broadcast_in_dim3A_171 : vector<1x256xf32>
          scf.yield %max3A_164, %add3A_172 : vector<1x256xf32>, vector<1x256xf32>
        }
        %while3A_123 = arith.constant 1 : i32
        %while3A_124:2 = scf.for %while3A_140 = %while3A_120 to %while3A_116 step %while3A_123 iter_args(%while3A_141 = %while3A_122#0, %while3A_142 = %while3A_122#1) -> (vector<1x256xf32>, vector<1x256xf32>)  : i32 {
          %mul3A_143 = arith.constant 128 : i32
          %mul3A_144 = arith.muli %while3A_140, %mul3A_143 : i32
          %add3A_145 = arith.addi %mul3A_84, %mul3A_144 : i32
          %min3A = arith.constant 9872 : i32
          %min3A_146 = arith.minsi %add3A_145, %min3A : i32
          %multiple_of3A = tpu.assume_multiple %min3A_146, 8 : i32
          %get3A_147 = arith.index_cast %multiple_of3A : i32 to index
          %get3A_148 = arith.constant 0 : index
          %get3A_149 = vector.load %arg16[%get3A_147, %get3A_148] : memref<10000x256xf32, #tpu.memory_space<vmem>>, vector<128x256xf32>
          %iota3A = tpu.iota {dimensions = array<i32: 0>} : vector<128x1xi32>
          %add3A_150 = vector.broadcast %multiple_of3A : i32 to vector<128x1xi32>
          %add3A_151 = arith.addi %add3A_150, %iota3A : vector<128x1xi32>
          %max3A_152 = arith.maxsi %add3A_145, %get3A_60 : i32
          %ge3A = vector.broadcast %max3A_152 : i32 to vector<128x1xi32>
          %ge3A_153 = arith.cmpi sge, %add3A_151, %ge3A : vector<128x1xi32>
          %lt3A_154 = vector.broadcast %get3A_64 : i32 to vector<128x1xi32>
          %lt3A_155 = arith.cmpi slt, %add3A_151, %lt3A_154 : vector<128x1xi32>
          %and3A_156 = arith.andi %ge3A_153, %lt3A_155 : vector<128x1xi1>
          %jit3A_157 = arith.constant 0xFF800000 : f32
          %broadcast_in_dim3A_158 = vector.shape_cast %and3A_156 : vector<128x1xi1> to vector<128x1xi1>
          %broadcast_in_dim3A_159 = vector.broadcast %broadcast_in_dim3A_158 : vector<128x1xi1> to vector<128x256xi1>
          %broadcast_in_dim3A_160 = vector.broadcast %jit3A_157 : f32 to vector<128x256xf32>
          %select_n3A_161 = arith.select %broadcast_in_dim3A_159, %get3A_149, %broadcast_in_dim3A_160 : vector<128x256xi1>, vector<128x256xf32>
          %reduce_max3A = arith.constant dense<0xFF800000> : vector<256xf32>
          %reduce_max3A_162 = vector.multi_reduction <maximumf>, %select_n3A_161, %reduce_max3A [0] : vector<128x256xf32> to vector<256xf32>
          %broadcast_in_dim3A_163 = vector.shape_cast %reduce_max3A_162 : vector<256xf32> to vector<1x256xf32>
          %max3A_164 = arith.maximumf %while3A_141, %broadcast_in_dim3A_163 : vector<1x256xf32>
          %jit3A_165 = arith.constant 0.000000e+00 : f32
          %broadcast_in_dim3A_166 = vector.shape_cast %and3A_156 : vector<128x1xi1> to vector<128x1xi1>
          %broadcast_in_dim3A_167 = vector.broadcast %broadcast_in_dim3A_166 : vector<128x1xi1> to vector<128x256xi1>
          %broadcast_in_dim3A_168 = vector.broadcast %jit3A_165 : f32 to vector<128x256xf32>
          %select_n3A_169 = arith.select %broadcast_in_dim3A_167, %get3A_149, %broadcast_in_dim3A_168 : vector<128x256xi1>, vector<128x256xf32>
          %reduce_sum3A = arith.constant dense<0.000000e+00> : vector<256xf32>
          %reduce_sum3A_170 = vector.multi_reduction <add>, %select_n3A_169, %reduce_sum3A [0] : vector<128x256xf32> to vector<256xf32>
          %broadcast_in_dim3A_171 = vector.shape_cast %reduce_sum3A_170 : vector<256xf32> to vector<1x256xf32>
          %add3A_172 = arith.addf %while3A_142, %broadcast_in_dim3A_171 : vector<1x256xf32>
          scf.yield %max3A_164, %add3A_172 : vector<1x256xf32>, vector<1x256xf32>
        }
        %mul3A_125 = arith.mulf %while3A_124#0, %mul3A_22 : vector<1x256xf32>
        %add3A_126 = arith.addf %mul3A_125, %sub3A_27 : vector<1x256xf32>
        %convert_element_type3A_127 = arith.sitofp %sub3A_65 : i32 to f32
        %max3A_128 = arith.constant 1.000000e+00 : f32
        %max3A_129 = arith.maximumf %convert_element_type3A_127, %max3A_128 : f32
        %div3A_130 = vector.broadcast %max3A_129 : f32 to vector<1x256xf32>
        %div3A_131 = arith.divf %while3A_124#1, %div3A_130 : vector<1x256xf32>
        %mul3A_132 = arith.mulf %div3A_131, %mul3A_22 : vector<1x256xf32>
        %add3A_133 = arith.addf %mul3A_132, %sub3A_27 : vector<1x256xf32>
        %swap3A_134 = arith.index_cast %scan3A_58 : i32 to index
        %swap3A_135 = arith.constant 0 : index
        %swap3A_136 = vector.load %arg18[%swap3A_134, %swap3A_135] : memref<128x512xf32, #tpu.memory_space<vmem>>, vector<1x256xf32>
        tpu.vector_store %arg18[%swap3A_134, %swap3A_135], %add3A_126 {strides = array<i32>} : memref<128x512xf32, #tpu.memory_space<vmem>>, vector<1x256xf32>,
        %swap3A_137 = arith.index_cast %scan3A_58 : i32 to index
        %swap3A_138 = arith.constant 256 : index
        %swap3A_139 = vector.load %arg18[%swap3A_137, %swap3A_138] : memref<128x512xf32, #tpu.memory_space<vmem>>, vector<1x256xf32>
        tpu.vector_store %arg18[%swap3A_137, %swap3A_138], %add3A_133 {strides = array<i32>} : memref<128x512xf32, #tpu.memory_space<vmem>>, vector<1x256xf32>,
      }
      %scan3A_31 = arith.constant 128 : i32
      %get3A_32 = arith.constant 0 : index
      %get3A_33 = arith.constant 0 : index
      %get3A_34 = vector.load %arg18[%get3A_32, %get3A_33] : memref<128x512xf32, #tpu.memory_space<vmem>>, vector<128x512xf32>
      %get3A_35 = arith.constant 0 : index
      %get3A_36 = arith.constant 0 : index
      %get3A_37 = vector.load %arg11[%get3A_35, %get3A_36] : memref<512x256xf32, #tpu.memory_space<vmem>>, vector<512x256xf32>
      %dot_general3A = arith.constant dense<0.000000e+00> : vector<128x256xf32>
      %dot_general3A_38 = tpu.matmul %get3A_34, %get3A_37, %dot_general3A {dimension_numbers = #tpu.dot_dimension_numbers<[1], [0], [0], [1], [0, 0, 1, 1], [], []>, transpose_lhs_hint = false} : vector<128x512xf32>, vector<512x256xf32>, vector<128x256xf32> -> vector<128x256xf32>
      %get3A_39 = arith.constant 0 : index
      %get3A_40 = arith.constant 0 : index
      %get3A_41 = vector.load %arg12[%get3A_39, %get3A_40] : memref<1x256xf32, #tpu.memory_space<vmem>>, vector<1x256xf32>
      %add3A_42 = vector.broadcast %get3A_41 : vector<1x256xf32> to vector<128x256xf32>
      %add3A_43 = arith.addf %dot_general3A_38, %add3A_42 : vector<128x256xf32>
      %max3A = arith.constant 0.000000e+00 : f32
      %max3A_44 = vector.broadcast %max3A : f32 to vector<128x256xf32>
      %max3A_45 = arith.maximumf %add3A_43, %max3A_44 : vector<128x256xf32>
      %get3A_46 = arith.constant 0 : index
      %get3A_47 = arith.constant 0 : index
      %get3A_48 = vector.load %arg13[%get3A_46, %get3A_47] : memref<256x10xf32, #tpu.memory_space<vmem>>, vector<256x10xf32>
      %dot_general3A_49 = arith.constant dense<0.000000e+00> : vector<128x10xf32>
      %dot_general3A_50 = tpu.matmul %max3A_45, %get3A_48, %dot_general3A_49 {dimension_numbers = #tpu.dot_dimension_numbers<[1], [0], [0], [1], [0, 0, 1, 1], [], []>, transpose_lhs_hint = false} : vector<128x256xf32>, vector<256x10xf32>, vector<128x10xf32> -> vector<128x10xf32>
      %get3A_51 = arith.constant 0 : index
      %get3A_52 = arith.constant 0 : index
      %get3A_53 = vector.load %arg14[%get3A_51, %get3A_52] : memref<1x10xf32, #tpu.memory_space<vmem>>, vector<1x10xf32>
      %add3A_54 = vector.broadcast %get3A_53 : vector<1x10xf32> to vector<128x10xf32>
      %add3A_55 = arith.addf %dot_general3A_50, %add3A_54 : vector<128x10xf32>
      %swap3A = arith.constant 0 : index
      %swap3A_56 = arith.constant 0 : index
      %swap3A_57 = vector.load %arg15[%swap3A, %swap3A_56] : memref<128x10xf32, #tpu.memory_space<vmem>>, vector<128x10xf32>
      tpu.vector_store %arg15[%swap3A, %swap3A_56], %add3A_55 {strides = array<i32>} : memref<128x10xf32, #tpu.memory_space<vmem>>, vector<128x10xf32>,
    } else {
    }
    return
  }
  func.func @transform_0(%arg0: i32, %arg1: memref<129xi32, #tpu.memory_space<smem>>) -> i32 {
    %c0_i32 = arith.constant 0 : i32
    %c0_i32_0 = arith.constant 0 : i32
    return %c0_i32 : i32
  }
  func.func @transform_1(%arg0: i32, %arg1: memref<129xi32, #tpu.memory_space<smem>>) -> (i32, i32) {
    %min3A = arith.constant 4 : i32
    %min3A_0 = arith.minsi %arg0, %min3A : i32
    %c0_i32 = arith.constant 0 : i32
    %c0_i32_1 = arith.constant 0 : i32
    return %min3A_0, %c0_i32 : i32, i32
  }
  func.func @transform_2(%arg0: i32, %arg1: memref<129xi32, #tpu.memory_space<smem>>) -> (i32, i32, i32) {
    %min3A = arith.constant 4 : i32
    %min3A_0 = arith.minsi %arg0, %min3A : i32
    %c0_i32 = arith.constant 0 : i32
    %c0_i32_1 = arith.constant 0 : i32
    %c0_i32_2 = arith.constant 0 : i32
    return %c0_i32, %min3A_0, %c0_i32_1 : i32, i32, i32
  }
  func.func @transform_3(%arg0: i32, %arg1: memref<129xi32, #tpu.memory_space<smem>>) -> (i32, i32) {
    %c0_i32 = arith.constant 0 : i32
    %c0_i32_0 = arith.constant 0 : i32
    %c0_i32_1 = arith.constant 0 : i32
    return %c0_i32, %c0_i32_0 : i32, i32
  }
  func.func @transform_4(%arg0: i32, %arg1: memref<129xi32, #tpu.memory_space<smem>>) -> (i32, i32) {
    %c0_i32 = arith.constant 0 : i32
    %c0_i32_0 = arith.constant 0 : i32
    %c0_i32_1 = arith.constant 0 : i32
    return %c0_i32, %c0_i32_0 : i32, i32
  }
  func.func @transform_5(%arg0: i32, %arg1: memref<129xi32, #tpu.memory_space<smem>>) -> (i32, i32) {
    %c0_i32 = arith.constant 0 : i32
    %c0_i32_0 = arith.constant 0 : i32
    %c0_i32_1 = arith.constant 0 : i32
    return %c0_i32, %c0_i32_0 : i32, i32
  }
  func.func @transform_6(%arg0: i32, %arg1: memref<129xi32, #tpu.memory_space<smem>>) -> (i32, i32) {
    %c0_i32 = arith.constant 0 : i32
    %c0_i32_0 = arith.constant 0 : i32
    %c0_i32_1 = arith.constant 0 : i32
    return %c0_i32, %c0_i32_0 : i32, i32
  }
  func.func @transform_7(%arg0: i32, %arg1: memref<129xi32, #tpu.memory_space<smem>>) -> (i32, i32) {
    %c0_i32 = arith.constant 0 : i32
    %c0_i32_0 = arith.constant 0 : i32
    %c0_i32_1 = arith.constant 0 : i32
    return %c0_i32, %c0_i32_0 : i32, i32
  }
  func.func @transform_8(%arg0: i32, %arg1: memref<129xi32, #tpu.memory_space<smem>>) -> (i32, i32) {
    %c0_i32 = arith.constant 0 : i32
    %c0_i32_0 = arith.constant 0 : i32
    %c0_i32_1 = arith.constant 0 : i32
    return %c0_i32, %c0_i32_0 : i32, i32
  }
  func.func @transform_9(%arg0: i32, %arg1: memref<129xi32, #tpu.memory_space<smem>>) -> (i32, i32) {
    %c0_i32 = arith.constant 0 : i32
    %c0_i32_0 = arith.constant 0 : i32
    %c0_i32_1 = arith.constant 0 : i32
    return %c0_i32, %c0_i32_0 : i32, i32
  }
  func.func @transform_10(%arg0: i32, %arg1: memref<129xi32, #tpu.memory_space<smem>>) -> (i32, i32) {
    %c0_i32 = arith.constant 0 : i32
    %c0_i32_0 = arith.constant 0 : i32
    %c0_i32_1 = arith.constant 0 : i32
    return %c0_i32, %c0_i32_0 : i32, i32
  }
  func.func @transform_11(%arg0: i32, %arg1: memref<129xi32, #tpu.memory_space<smem>>) -> (i32, i32) {
    %c0_i32 = arith.constant 0 : i32
    %c0_i32_0 = arith.constant 0 : i32
    %c0_i32_1 = arith.constant 0 : i32
    return %c0_i32, %c0_i32_0 : i32, i32
  }
  func.func @transform_12(%arg0: i32, %arg1: memref<129xi32, #tpu.memory_space<smem>>) -> (i32, i32) {
    %c0_i32 = arith.constant 0 : i32
    %c0_i32_0 = arith.constant 0 : i32
    %c0_i32_1 = arith.constant 0 : i32
    return %c0_i32, %c0_i32_0 : i32, i32
  }
  func.func @transform_13(%arg0: i32, %arg1: memref<129xi32, #tpu.memory_space<smem>>) -> (i32, i32) {
    %c0_i32 = arith.constant 0 : i32
    %c0_i32_0 = arith.constant 0 : i32
    %c0_i32_1 = arith.constant 0 : i32
    return %c0_i32, %c0_i32_0 : i32, i32
  }
}

</mosaic_0001>

<sc_bundles>
// kernel: kernel.4.cloned.1.call-start
scs
__scs_entry_jumppad:
0x0: {  	(pc) =	sbr.rel $0x88, $3  }
0x1: {  	(tag) =	ssettag $0x0;
	lr =	simm.s32 $0x1  }
0x2: {  	[smem:$0x3F93] =	sst lr;
	_ =	strace $0xD0000000  }
0x3: {  	_ = 	snop  }
0x4: {  	_ = 	snop  }
0x5: {  	_ = 	snop  }
0x6: {  	_ = 	snop  }
0x7: {  	_ = 	snop  }
__scs_overlays_trampoline_lowered:
0x8: {  	[smem:$0x3FA2] =	sst s0  }
0x9: {  	[smem:$0x3FA3] =	sst s1  }
0xa: {  	[smem:$0x3FA4] =	sst s2  }
0xb: {  	[smem:$0x3FA5] =	sst s3  }
0xc: {  	[smem:$0x3FA6] =	sst s4  }
0xd: {  	[smem:$0x3FA7] =	sst s5  }
0xe: {  	[smem:$0x3FA8] =	sst s6  }
0xf: {  	[smem:$0x3FA9] =	sst s7  }
0x10: {  	[smem:$0x3FAA] =	sst s8  }
0x11: {  	[smem:$0x3FAB] =	sst s9;
	s0 =	simm.s32 @!p0 $0x0  }
0x12: {  	s1 =	sld [smem:$0x3F91];
	s0 =	simm.s32 @p0 $0x1  }
0x13: {  	[smem:$0x3FAC] =	sst s0;
	s0 =	simm.s32 @!p1 $0x0  }
0x14: {  	s2 =	sld [smem:$0x3F90];
	s0 =	simm.s32 @p1 $0x1  }
0x15: {  	[smem:$0x3FAD] =	sst s0;
	s0 =	simm.s32 @!p2 $0x0  }
0x16: {  	s3 =	sld [smem:$0x3FDB];
	s0 =	simm.s32 @p2 $0x1  }
0x17: {  	s4 =	simm.s32 $0x1BF5;
	[smem:$0x3FAF] =	sst s0  }
0x18: {  	s0 =	sld [smem:$0x3F92];
	_ =	swait.ge [sflag:s4], $0x0  }
0x19: {  	s7 =	sld [smem:$0x3F93]  }
0x1a: {  	s8 =	sadd.s32 $0xFFFFE003, lr  }
0x1b: {  	s9 =	sadd.s32 $0xFFFFFEF7, lr;
	s5 =	simm.s32 $0xFFFFFFFF;
	p2 =	slt.u32 s8, $0xFFFFF086  }
0x1c: {  	p1 =	slt.u32 s9, $0xF7A;
	s5 =	simm.s32 @!p2 $0x0  }
0x1d: {  	s5 =	simm.s32 @p1 $0x1;
	p0 =	seq.s32 s7, s2  }
0x1e: {  	s7 =	smul.u32 @!p0 $0xF7A, s2;
	p2 =	seq.s32 @!p0 s5, $0x0  }
0x1f: {  	s9 =	smul.u32 $0xF7A, s1;
	s8 =	simm.s32 @!p0 $0x1BF5;
	p2 =	por !p2, p0  }
0x20: {  	[sflag:s8] =	ssyncset.s32 @!p0 $0xFFFFF086;
	s6 =	sadd.s32 @!p0 s3, s7;
	s7 =	simm.s32 @!p0 $0x108  }
0x21: {  	s3 =	sadd.s32 s3, s9;
	s6 =	sadd.s32 @!p0 $0x88, s6;
	s7 =	simm.s32 @p2 $0x1082  }
0x22: {  	[simem:s7], [sflag:s8] =	dma.local @!p0 [hbm:s6], $0xF7A  }
0x23: {  	s9 =	sor.u32 $0xD0000000, s2;
	s6 =	simm.s32 $0x108;
	_ =	swait.ge @!p0 [sflag:s8], $0x0  }
0x24: {  	s3 =	sadd.s32 $0x88, s3;
	s6 =	simm.s32 @!p1 $0x1082;
	[sflag:s4] =	ssyncset.s32 $0xFFFFF086  }
0x25: {  	[simem:s6], [sflag:s4] =	dma.local [hbm:s3], $0xF7A  }
0x26: {  	[smem:$0x3F93] =	sst s1;
	(tag) =	ssettag s2;
	_ =	strace s9  }
0x27: {  	s1 =	sld [smem:$0x3FA3]  }
0x28: {  	s2 =	sld [smem:$0x3FA4]  }
0x29: {  	s4 =	sld [smem:$0x3FA6]  }
0x2a: {  	p0 =	seq.s32 s5, $0x0;
	s5 =	sld [smem:$0x3FA7]  }
0x2b: {  	s6 =	sld [smem:$0x3FA8]  }
0x2c: {  	s7 =	sld [smem:$0x3FA9]  }
0x2d: {  	s3 =	simm.s32 $0x108;
	s8 =	sld [smem:$0x3FAA]  }
0x2e: {  	s3 =	simm.s32 @!p0 $0x1082;
	s9 =	sld [smem:$0x3FAB]  }
0x2f: {  	lr =	sadd.s32 s0, s3;
	s0 =	sld [smem:$0x3FA2]  }
0x30: {  	s3 =	sld [smem:$0x3FA5]  }
0x31: {  	[smem:$0x3FAE] =	sst s10  }
0x32: {  	s10 =	sld [smem:$0x3FAC];
	_ =	sdelay $0x3  }
0x33: {  	p0 =	seq.s32 s10, $0x1;
	s10 =	sld [smem:$0x3FAE];
	_ =	sdelay $0x3  }
0x34: {  	[smem:$0x3FAE] =	sst s10  }
0x35: {  	s10 =	sld [smem:$0x3FAD];
	_ =	sdelay $0x3  }
0x36: {  	p1 =	seq.s32 s10, $0x1;
	s10 =	sld [smem:$0x3FAE];
	_ =	sdelay $0x3  }
0x37: {  	[smem:$0x3FAE] =	sst s10  }
0x38: {  	s10 =	sld [smem:$0x3FAF]  }
0x39: {  	_ = 	snop;
	(pc) =	sbr.ind lr, $3  }
0x3a: {  	_ = 	snop  }
0x3b: {  	_ = 	snop  }
0x3c: {  	p2 =	seq.s32 s10, $0x1;
	s10 =	sld [smem:$0x3FAE]  }
0x3d: {  	_ =	shalt  }
0x3e: {  	_ =	shalt  }
0x3f: {  	_ =	shalt  }
0x40: {  	_ =	shalt  }
0x41: {  	_ =	shalt  }
0x42: {  	_ =	shalt  }
0x43: {  	_ =	shalt  }
0x44: {  	_ =	shalt  }
0x45: {  	_ =	shalt  }
0x46: {  	_ =	shalt  }
0x47: {  	_ =	shalt  }
0x48: {  	_ =	shalt  }
0x49: {  	_ =	shalt  }
0x4a: {  	_ =	shalt  }
0x4b: {  	_ =	shalt  }
0x4c: {  	_ =	shalt  }
0x4d: {  	_ =	shalt  }
0x4e: {  	_ =	shalt  }
0x4f: {  	_ =	shalt  }
0x50: {  	_ =	shalt  }
0x51: {  	_ =	shalt  }
0x52: {  	_ =	shalt  }
0x53: {  	_ =	shalt  }
0x54: {  	_ =	shalt  }
0x55: {  	_ =	shalt  }
0x56: {  	_ =	shalt  }
0x57: {  	_ =	shalt  }
0x58: {  	_ =	shalt  }
0x59: {  	_ =	shalt  }
0x5a: {  	_ =	shalt  }
0x5b: {  	_ =	shalt  }
0x5c: {  	_ =	shalt  }
0x5d: {  	_ =	shalt  }
0x5e: {  	_ =	shalt  }
0x5f: {  	_ =	shalt  }
0x60: {  	_ =	shalt  }
0x61: {  	_ =	shalt  }
0x62: {  	_ =	shalt  }
0x63: {  	_ =	shalt  }
0x64: {  	_ =	shalt  }
0x65: {  	_ =	shalt  }
0x66: {  	_ =	shalt  }
0x67: {  	_ =	shalt  }
0x68: {  	_ =	shalt  }
0x69: {  	_ =	shalt  }
0x6a: {  	_ =	shalt  }
0x6b: {  	_ =	shalt  }
0x6c: {  	_ =	shalt  }
0x6d: {  	_ =	shalt  }
0x6e: {  	_ =	shalt  }
0x6f: {  	_ =	shalt  }
0x70: {  	_ =	shalt  }
0x71: {  	_ =	shalt  }
0x72: {  	_ =	shalt  }
0x73: {  	_ =	shalt  }
0x74: {  	_ =	shalt  }
0x75: {  	_ =	shalt  }
0x76: {  	_ =	shalt  }
0x77: {  	_ =	shalt  }
0x78: {  	_ =	shalt  }
0x79: {  	_ =	shalt  }
0x7a: {  	_ =	shalt  }
0x7b: {  	_ =	shalt  }
0x7c: {  	_ =	shalt  }
0x7d: {  	_ =	shalt  }
0x7e: {  	_ =	shalt  }
0x7f: {  	_ =	shalt  }
0x80: {  	_ =	shalt  }
0x81: {  	_ =	shalt  }
0x82: {  	_ =	shalt  }
0x83: {  	_ =	shalt  }
0x84: {  	_ =	shalt  }
0x85: {  	_ =	shalt  }
0x86: {  	_ =	shalt  }
0x87: {  	_ =	shalt  }
.Lfunc_end0:
.L_simem_size_0:
called_computation_lowered:
.L_overlay_start_0:
0x88: {  	s2 =	sld [smem:$0x3FD9]  }
0x89: {  	s3 =	sld [smem:$0x3FFE];
	_ =	sdelay $0x1  }
0x8a: {  	s1 =	srdreg.scid  }
0x8b: {  	s0 =	sand.u32 $0x1, s1  }
0x8c: {  	s17 =	sshll.u32 s0, $0xA;
	s2 =	sadd.s32 s3, s2  }
0x8d: {  	s2 =	sadd.s32 s2, s17  }
0x8e: {  	[smem:$0x3FBA] =	sst s2  }
0x8f: {  	_ = 	snop  }
0x90: {  	s2 =	sld [smem:$0x3FC9]  }
0x91: {  	s18 =	sld [smem:$0x3FBD];
	(tm) =	ssettm $0x1  }
0x92: {  	s4 =	sld [smem:$0x3FFB];
	_ =	sdelay $0x3  }
0x93: {  	_ =	strace s4  }
0x94: {  	s4 =	sld [smem:$0x3FFC];
	_ =	sdelay $0x3  }
0x95: {  	_ =	strace s4  }
0x96: {  	s4 =	sld [smem:$0x3FFD];
	_ =	sdelay $0x3  }
0x97: {  	_ =	strace s4  }
0x98: {  	_ =	strace $0x8FFFFFFF  }
0x99: {  	s19 =	sld [smem:$0x3FDB];
	_ =	sdelay $0x1  }
0x9a: {  	s5 =	simm.s32 $_scs_section_size  }
0x9b: {  	s6 =	simm.s32 $_size__tile_overlayer_lowered;
	s7 =	simm.s32 $_tile_overlayer_lowered  }
0x9c: {  	s22 =	simm.s32 $0x1BFF;
	s21 =	sshll.u32 s7, $0x1;
	s4 =	sadd.s32 s5, s19  }
0x9d: {  	s8 =	simm.s32 $0x0;
	s20 =	sshll.u32 s6, $0x1;
	s6 =	sadd.s32 s21, s4  }
0x9e: {  	[timem:s8], [sflag:s22] =	dma.local [hbm:s6], s20  }
0x9f: {  	_ =	swait.ge [sflag:s22], s20  }
0xa0: {  	s5 =	ssub.s32 $0x0, s20;
	[sflag:s22] =	ssyncset.done $0x0  }
0xa1: {  	[sflag:s22] =	ssyncadd.s32 s5;
	_ =	sdelay $0x1  }
0xa2: {  	s23 =	simm.s32 $0x1B8B  }
0xa3: {  	_ =	swait.ge [sflag:s23], $0x1  }
0xa4: {  	[sflag:s23] =	ssyncset.done $0x0  }
0xa5: {  	s25 =	simm.s32 $0x1B8E;
	s24 =	sld [smem:$0x3FFE];
	[sflag:s23] =	ssyncadd.s32 $0xFFFFFFFF  }
0xa6: {  	s26 =	simm.s32 $execute0_lowered;
	[smem:$0x3FD2] =	sst s25  }
0xa7: {  	s6 =	sshll.u32 s26, $0x1;
	_ =	strace $0x80000046;
	[dreg:$0x1] =	wrdreg $0xFFFFFFFF  }
0xa8: {  	s28 =	simm.s32 $_size_execute0_lowered;
	s4 =	sadd.s32 s4, s6;
	[dreg:$0x0] =	wrdreg $0x0  }
0xa9: {  	s6 =	sshll.u32 s28, $0x1;
	[dreg:$0x2] =	wrdreg s4  }
0xaa: {  	[dreg:$0x3] =	wrdreg s6  }
0xab: {  	[dreg:$0x4] =	wrdreg $0xC0  }
0xac: {  	_ =	task [dreg:s8], $0x5FFFF  }
0xad: {  	[dreg:$0x1] =	wrdreg $0xFFFFFFFF  }
0xae: {  	[dreg:$0x0] =	wrdreg $0x60  }
0xaf: {  	[dreg:$0x2] =	wrdreg s2  }
0xb0: {  	[dreg:$0x3] =	wrdreg s18  }
0xb1: {  	[dreg:$0x4] =	wrdreg s24  }
0xb2: {  	[dreg:$0x5] =	wrdreg $0xC6000  }
0xb3: {  	[dreg:$0x6] =	wrdreg $0x9  }
0xb4: {  	_ =	task.clear_ibuf [dreg:s8], $0x7FFFF;
	_ =	strace $0x90000046  }
0xb5: {  	s29 =	simm.s32 $0x9;
	_ =	strace $0x80000048  }
0xb6: {  	_ =	swait.ge [sflag:s29], $0x1  }
0xb7: {  	[sflag:s29] =	ssyncadd.s32 $0xFFFFFFFF  }
0xb8: {  	_ =	strace $0x90000048  }
0xb9: {  	_ =	sfence  }
0xba: {  	s30 =	sld [smem:$0x0];
	_ =	sdelay $0x2  }
0xbb: {  	s31 =	sshll.u32 s1, $0xD;
	s1 =	sshrl.u32 s1, $0x2  }
0xbc: {  	s3 =	sand.u32 $0x4000, s31;
	s1 =	sadd.s32 s1, s30  }
0xbd: {  	s0 =	sor.u32 s3, s0;
	s1 =	sshll.u32 s1, $0x11  }
0xbe: {  	s0 =	sor.u32 s1, s0  }
0xbf: {  	s0 =	sadd.s32 $0x8F2B, s0  }
0xc0: {  	[sflag:s0] =	ssyncadd.remote.s32 $0x1  }
0xc1: {  	_ =	sfence.sel $0xFFFF  }
0xc2: {  	[dreg:$0x0] =	wrdreg $0xFFFFFFFF;
	(pc) =	sbr.abs _section_cstart, $3  }
0xc3: {  	[dreg:$0x1] =	wrdreg $0xFFFFFFFF  }
0xc4: {  	_ =	task.clear_ibuf [dreg:s8], $0x2FFFF;
	_ =	strace $0x9FFFFFFF  }
0xc5: {  	(tm) =	ssettm $0x7FFFFFFF  }
tec
execute0_lowered:
.L_overlay_start_1:
0x0: {  	(tag) =	ssettag $0x1  }
0x1: {  	s0 =	rddreg [dreg:$0x0]  }
0x2: {  	s1 =	rddreg [dreg:$0x1]  }
0x3: {  	s2 =	rddreg [dreg:$0x2];
	s4 =	srdreg.scid  }
0x4: {  	s3 =	rddreg [dreg:$0x3];
	s12 =	stileid.u32;
	s28 =	simm.s32 $0x1  }
0x5: {  	s29 =	simm.s32 $0x600;
	s31 =	simm.s32 $0x4600;
	s6 =	smul.u32 $0x280, s12  }
0x6: {  	s5 =	sand.u32 $0x1, s4;
	s4 =	simm.s32 $0x0;
	s26 =	smul.u32 $0x9C0, s12  }
0x7: {  	s23 =	sshll.u32 s12, $0x5;
	s7 =	sshll.u32 s5, $0x4;
	s8 =	smul.u32 $0x138800, s5  }
0x8: {  	[smem:$0x7FF] =	sst s4;
	s10 =	ssub.s32 $0x2, s5;
	s5 =	smul.u32 $0x9C00, s5  }
0x9: {  	s7 =	sor.u32 s12, s7;
	s6 =	smin.u32 s6, $0x2490;
	_ =	strace $0x80000047  }
0xa: {  	s11 =	sshrl.u32 s10, $0x1;
	s12 =	simm.s32 $0x500;
	s9 =	smul.u32 $0x4E00, s7  }
0xb: {  	s6 =	sshll.u32 s6, $0x7;
	s13 =	ssub.s32 s10, s11;
	p0 =	sgt.u32 s7, $0x3  }
0xc: {  	s7 =	simm.s32 $0x180;
	s10 =	simm.s32 $0x8;
	s30 =	smax.u32 s13, $0x1  }
0xd: {  	s11 =	simm.s32 $0x200;
	s21 =	sadd.s32 s6, s3;
	[dreg:$0x13] =	wrdreg s30  }
0xe: {  	s8 =	sadd.s32 s8, s6;
	s19 =	sadd.s32 $0x4000, s21;
	[dreg:$0x9] =	wrdreg s21  }
0xf: {  	s6 =	sadd.s32 s23, s1;
	s20 =	sadd.s32 $0x8000, s21;
	[dreg:$0xc] =	wrdreg s19  }
0x10: {  	s23 =	simm.s32 $0x380;
	s22 =	sadd.s32 $0xC000, s21;
	[dreg:$0xd] =	wrdreg s20  }
0x11: {  	s13 =	simm.s32 $0x4;
	s24 =	sadd.s32 $0x10000, s21;
	[dreg:$0xe] =	wrdreg s22  }
0x12: {  	s9 =	sshrl.u32 s9, $0x3;
	s25 =	sadd.s32 $0x13800, s6;
	[dreg:$0xf] =	wrdreg s24  }
0x13: {  	s8 =	sshrl.u32 s8, $0x3;
	s6 =	sadd.s32 $0x13810, s6;
	[dreg:$0x10] =	wrdreg s25  }
0x14: {  	s9 =	sadd.s32 s1, s9;
	s2 =	sadd.s32 s8, s2;
	[dreg:$0x11] =	wrdreg s6  }
0x15: {  	s1 =	sadd.s32 s5, s1;
	s22 =	simm.s32 $0x80;
	s25 =	simm.s32 $0x400  }
0x16: {  	s6 =	simm.s32 $0x7;
	s8 =	simm.s32 $0x480;
	s19 =	simm.s32 $0xC  }
0x17: {  	s5 =	simm.s32 $0x6;
	s14 =	sadd.s32 $0x10, s9;
	[dreg:$0x5] =	wrdreg s9  }
0x18: {  	s24 =	simm.s32 $0x0;
	s15 =	sadd.s32 $0x20, s9;
	[dreg:$0x6] =	wrdreg s14  }
0x19: {  	s16 =	sadd.s32 $0x30, s9;
	s17 =	sadd.s32 $0x40, s9;
	[dreg:$0x7] =	wrdreg s15  }
.Ltmp0:
0x1a: {  	s18 =	sadd.s32 $0x50, s9;
	[dreg:$0x8] =	wrdreg s16;
	(pc) =	sbr.rel .LBB2_1-.Ltmp0, $4  }
0x1b: {  	s2 =	sadd.s32 $0x2800, s2;
	s20 =	sadd.s32 s26, s1;
	[dreg:$0xa] =	wrdreg s17  }
0x1c: {  	s26 =	simm.s32 $0x8600;
	s1 =	simm.s32 $0xA;
	[dreg:$0xb] =	wrdreg s18  }
0x1d: {  	[dreg:$0x12] =	wrdreg s2;
	s14 =	simm.s32 $0x9;
	s15 =	simm.s32 $0x280  }
0x1e: {  	v0 =	vimm.f32 $0.0e+00;
	s16 =	simm.s32 $0x580;
	s17 =	simm.s32 $0xB;
	s18 =	simm.s32 $0x5  }
.LBB2_6:
0x1f: {  	_ =	swait.ge [sflag:s14], $0x4000  }
0x20: {  	[sflag:s14] =	ssyncset.done $0x0  }
0x21: {  	[sflag:s14] =	ssyncadd.s32 $0xFFFFC000  }
0x22: {  	[spmem:s3] =	stream.indirect.scatter.add.f32 [tilespmem:s26], [sflag:$0xC], $0x80, s16, s22, $0xb8;
	[tilespmem:$0x1FE80] =	vst v63  }
0x23: {  	_ =	swait.ge [sflag:s1], $0x4000  }
0x24: {  	[sflag:s1] =	ssyncset.done $0x0  }
0x25: {  	[sflag:s1] =	ssyncadd.s32 $0xFFFFC000  }
0x26: {  	_ =	swait.ge [sflag:s17], $0x4000  }
0x27: {  	[sflag:s17] =	ssyncset.done $0x0  }
0x28: {  	[sflag:s17] =	ssyncadd.s32 $0xFFFFC000  }
0x29: {  	_ =	swait.ge [sflag:s19], $0x4000  }
0x2a: {  	[sflag:s19] =	ssyncset.done $0x0  }
0x2b: {  	s2 =	simm.s32 @!p0 $0x0;
	s9 =	rddreg [dreg:$0x10];
	[sflag:s19] =	ssyncadd.s32 $0xFFFFC000  }
0x2c: {  	[tilespmem:s2], [sflag:$0x1] =	stream.linear.gather @!p0 [hbm4b:s9+s2], $0x80, $0x38;
	[tilespmem:$0x1FE80] =	vst v63  }
0x2d: {  	s21 =	rddreg [dreg:$0x11];
	s9 =	simm.s32 @!p0 $0x300  }
0x2e: {  	[tilespmem:s9], [sflag:$0x1] =	stream.linear.gather @!p0 [hbm4b:s21+s2], $0x80, $0x38;
	[tilespmem:$0x1FE80] =	vst v63  }
0x2f: {  	s21 =	simm.s32 @!p0 $0x1  }
0x30: {  	_ =	swait.ge @!p0 [sflag:s21], $0x80  }
0x31: {  	[sflag:s21] =	ssyncset.done @!p0 $0x0  }
0x32: {  	[sflag:s21] =	ssyncadd.s32 @!p0 $0xFFFFFF80  }
0x33: {  	_ =	swait.ge @!p0 [sflag:s21], $0x80  }
0x34: {  	[sflag:s21] =	ssyncset.done @!p0 $0x0  }
0x35: {  	s24 =	simm.s32 @!p0 $0x600;
	[sflag:s21] =	ssyncadd.s32 @!p0 $0xFFFFFF80;
	s21 =	simm.s32 @!p0 $0x80  }
0x36: {  	[tilespmem:s24], [sflag:$0x7] =	stream.indirect.gather @!p0 [hbm4b:s0+s21], $0x80, s2, s21, $0xb8;
	[tilespmem:$0x1FE80] =	vst v63  }
0x37: {  	s2 =	simm.s32 @!p0 $0x7  }
0x38: {  	_ =	swait.ge @!p0 [sflag:s2], $0x4000  }
0x39: {  	[sflag:s2] =	ssyncset.done @!p0 $0x0  }
0x3a: {  	[sflag:s2] =	ssyncadd.s32 @!p0 $0xFFFFC000;
	s2 =	simm.s32 @!p0 $0xD  }
0x3b: {  	[spmem:s3] =	stream.indirect.scatter.add.f32 @!p0 [tilespmem:s24], [sflag:$0xD], $0x80, s9, s21, $0xb8;
	[tilespmem:$0x1FE80] =	vst v63  }
0x3c: {  	_ =	swait.ge @!p0 [sflag:s2], $0x4000  }
0x3d: {  	[sflag:s2] =	ssyncset.done @!p0 $0x0  }
0x3e: {  	[sflag:s2] =	ssyncadd.s32 @!p0 $0xFFFFC000  }
0x3f: {  	s21 =	stileid.u32;
	[bflag:$0x0] =	sbarrier.arrive $0xFFFF  }
0x40: {  	s9 =	simm.s32 $0xD;
	s2 =	sshll.u32 s21, $0x6;
	s21 =	rddreg [dreg:$0x9]  }
0x41: {  	s2 =	sor.u32 $0x1C0D, s2;
	s30 =	rddreg [dreg:$0x12];
	s24 =	sshrl.u32 s21, $0x3  }
0x42: {  	[hbm:s30], [sflag:s2] =	dma.local [spmem:s24], $0x2800  }
0x43: {  	_ =	swait.ge [sflag:s9], $0x2800  }
0x44: {  	s2 =	rddreg [dreg:$0x14]  }
0x45: {  	s30 =	rddreg [dreg:$0x13];
	s24 =	sadd.s32 $0x1, s2  }
0x46: {  	p1 =	sne.s32 s24, s30  }
.Ltmp1:
0x47: {  	_ = 	snop;
	(pc) =	sbr.rel @!p1 .LBB2_7-.Ltmp1, $3  }
0x48: {  	_ =	sdelay $0x1  }
0x49: {  	[sflag:s9] =	ssyncset.done $0x0  }
0x4a: {  	[sflag:s9] =	ssyncadd.s32 $0xFFFFD800  }
.LBB2_1:
0x4b: {  	[dreg:$0x14] =	wrdreg s24  }
0x4c: {  	s2 =	rddreg [dreg:$0x5]  }
0x4d: {  	[tilespmem:s4], [sflag:$0x1] =	stream.linear.gather [hbm4b:s2+s4], $0x80, $0x38;
	[tilespmem:$0x1FE80] =	vst v63  }
0x4e: {  	s24 =	rddreg [dreg:$0x6];
	s9 =	simm.s32 $0x300  }
0x4f: {  	[tilespmem:s9], [sflag:$0x1] =	stream.linear.gather [hbm4b:s24+s4], $0x80, $0x38;
	[tilespmem:$0x1FE80] =	vst v63  }
0x50: {  	s9 =	rddreg [dreg:$0x7]  }
0x51: {  	[tilespmem:s22], [sflag:$0x2] =	stream.linear.gather [hbm4b:s9+s4], $0x80, $0x38;
	[tilespmem:$0x1FE80] =	vst v63  }
0x52: {  	s24 =	rddreg [dreg:$0x8]  }
0x53: {  	[tilespmem:s23], [sflag:$0x2] =	stream.linear.gather [hbm4b:s24+s4], $0x80, $0x38;
	[tilespmem:$0x1FE80] =	vst v63  }
0x54: {  	s9 =	rddreg [dreg:$0xa];
	s24 =	simm.s32 $0x100  }
0x55: {  	[tilespmem:s24], [sflag:$0x3] =	stream.linear.gather [hbm4b:s9+s4], $0x80, $0x38;
	[tilespmem:$0x1FE80] =	vst v63  }
0x56: {  	s30 =	simm.s32 $0x200;
	s2 =	simm.s32 $0x0;
	s24 =	rddreg [dreg:$0xb]  }
0x57: {  	[tilespmem:s25], [sflag:$0x3] =	stream.linear.gather [hbm4b:s24+s4], $0x80, $0x38;
	[tilespmem:$0x1FE80] =	vst v63  }
.LBB2_2:
0x58: {  	p1 =	sne.s32 s30, $0xFE00;
	[tilespmem:s2+$0x8670] =	vst v0  }
0x59: {  	[tilespmem:s2+$0x8600] =	vst v0  }
0x5a: {  	[tilespmem:s2+$0x8610] =	vst v0  }
.Ltmp2:
0x5b: {  	[tilespmem:s2+$0x8620] =	vst v0;
	(pc) =	sbr.rel @p1 .LBB2_2-.Ltmp2, $4  }
0x5c: {  	[tilespmem:s2+$0x8630] =	vst v0  }
0x5d: {  	[tilespmem:s2+$0x8640] =	vst v0  }
0x5e: {  	[tilespmem:s2+$0x8650] =	vst v0  }
0x5f: {  	[tilespmem:s2+$0x8660] =	vst v0;
	s2 =	sshra.s32 s30, $0x2;
	s30 =	sadd.s32 $0x200, s30  }
0x60: {  	[tilespmem:s2+$0x8670] =	vst v0  }
0x61: {  	[tilespmem:s2+$0x8600] =	vst v0  }
0x62: {  	[tilespmem:s2+$0x8610] =	vst v0  }
0x63: {  	[tilespmem:s2+$0x8620] =	vst v0  }
0x64: {  	[tilespmem:s2+$0x8630] =	vst v0  }
0x65: {  	[tilespmem:s2+$0x8640] =	vst v0  }
0x66: {  	[tilespmem:s2+$0x8650] =	vst v0  }
0x67: {  	[tilespmem:s2+$0x8660] =	vst v0  }
0x68: {  	[spmem:s21] =	stream.linear.scatter [tilespmem:s26], [sflag:$0xA], $0x4000, $0x38;
	[tilespmem:$0x1FE80] =	vst v63  }
0x69: {  	s24 =	rddreg [dreg:$0xc]  }
0x6a: {  	[spmem:s24] =	stream.linear.scatter [tilespmem:s26], [sflag:$0xA], $0x4000, $0x38;
	[tilespmem:$0x1FE80] =	vst v63  }
0x6b: {  	s9 =	rddreg [dreg:$0xd]  }
0x6c: {  	[spmem:s9] =	stream.linear.scatter [tilespmem:s26], [sflag:$0xA], $0x4000, $0x38;
	[tilespmem:$0x1FE80] =	vst v63  }
0x6d: {  	s21 =	rddreg [dreg:$0xe]  }
0x6e: {  	[spmem:s21] =	stream.linear.scatter [tilespmem:s26], [sflag:$0xA], $0x4000, $0x38;
	[tilespmem:$0x1FE80] =	vst v63  }
0x6f: {  	s24 =	rddreg [dreg:$0xf]  }
0x70: {  	[spmem:s24] =	stream.linear.scatter [tilespmem:s26], [sflag:$0xA], $0x4000, $0x38;
	[tilespmem:$0x1FE80] =	vst v63  }
0x71: {  	_ =	swait.ge [sflag:s28], $0x80  }
0x72: {  	[sflag:s28] =	ssyncset.done $0x0  }
0x73: {  	[sflag:s28] =	ssyncadd.s32 $0xFFFFFF80  }
0x74: {  	_ =	swait.ge [sflag:s28], $0x80  }
0x75: {  	[sflag:s28] =	ssyncset.done $0x0  }
0x76: {  	s30 =	simm.s32 $0x0;
	s9 =	simm.s32 $0x2;
	[sflag:s28] =	ssyncadd.s32 $0xFFFFFF80  }
0x77: {  	[tilespmem:s29], [sflag:$0x7] =	stream.indirect.gather [hbm4b:s0+s22], $0x80, s30, s22, $0xb8;
	[tilespmem:$0x1FE80] =	vst v63  }
0x78: {  	_ =	swait.ge [sflag:s9], $0x80  }
0x79: {  	[sflag:s9] =	ssyncset.done $0x0  }
0x7a: {  	[sflag:s9] =	ssyncadd.s32 $0xFFFFFF80  }
0x7b: {  	_ =	swait.ge [sflag:s9], $0x80  }
0x7c: {  	[sflag:s9] =	ssyncset.done $0x0  }
0x7d: {  	[sflag:s9] =	ssyncadd.s32 $0xFFFFFF80  }
0x7e: {  	[tilespmem:s31], [sflag:$0x8] =	stream.indirect.gather [hbm4b:s0+s22], $0x80, s22, s22, $0xb8;
	[tilespmem:$0x1FE80] =	vst v63  }
0x7f: {  	_ =	swait.ge [sflag:s1], $0x4000  }
0x80: {  	[sflag:s1] =	ssyncset.done $0x0  }
0x81: {  	[sflag:s1] =	ssyncadd.s32 $0xFFFFC000  }
0x82: {  	_ =	swait.ge [sflag:s1], $0x4000  }
0x83: {  	[sflag:s1] =	ssyncset.done $0x0  }
0x84: {  	[sflag:s1] =	ssyncadd.s32 $0xFFFFC000  }
0x85: {  	_ =	swait.ge [sflag:s1], $0x4000  }
0x86: {  	[sflag:s1] =	ssyncset.done $0x0  }
0x87: {  	[sflag:s1] =	ssyncadd.s32 $0xFFFFC000  }
0x88: {  	_ =	swait.ge [sflag:s1], $0x4000  }
0x89: {  	[sflag:s1] =	ssyncset.done $0x0  }
0x8a: {  	[sflag:s1] =	ssyncadd.s32 $0xFFFFC000  }
0x8b: {  	_ =	swait.ge [sflag:s1], $0x4000  }
0x8c: {  	[sflag:s1] =	ssyncset.done $0x0  }
0x8d: {  	s21 =	simm.s32 $0x3;
	[sflag:s1] =	ssyncadd.s32 $0xFFFFC000  }
0x8e: {  	_ =	swait.ge [sflag:s21], $0x80  }
0x8f: {  	[sflag:s21] =	ssyncset.done $0x0  }
0x90: {  	[sflag:s21] =	ssyncadd.s32 $0xFFFFFF80  }
0x91: {  	_ =	swait.ge [sflag:s21], $0x80  }
0x92: {  	[sflag:s21] =	ssyncset.done $0x0  }
0x93: {  	s24 =	simm.s32 $0x100;
	[sflag:s21] =	ssyncadd.s32 $0xFFFFFF80  }
0x94: {  	[tilespmem:s26], [sflag:$0x9] =	stream.indirect.gather [hbm4b:s0+s22], $0x80, s24, s22, $0xb8;
	[tilespmem:$0x1FE80] =	vst v63  }
0x95: {  	[bflag:$0x0] =	sbarrier.arrive $0xFFFF  }
.LBB2_4:
0x96: {  	p1 =	seq.s32 s30, $0x0  }
0x97: {  	s2 =	simm.s32 @!p1 $0xB  }
0x98: {  	_ =	swait.ge @!p1 [sflag:s2], $0x4000  }
0x99: {  	[sflag:s2] =	ssyncset.done @!p1 $0x0  }
0x9a: {  	[sflag:s2] =	ssyncadd.s32 @!p1 $0xFFFFC000;
	s2 =	simm.s32 @!p1 $0x2  }
0x9b: {  	_ =	swait.ge @!p1 [sflag:s2], $0x80  }
0x9c: {  	[sflag:s2] =	ssyncset.done @!p1 $0x0  }
0x9d: {  	[sflag:s2] =	ssyncadd.s32 @!p1 $0xFFFFFF80  }
0x9e: {  	_ =	swait.ge @!p1 [sflag:s2], $0x80  }
0x9f: {  	[sflag:s2] =	ssyncset.done @!p1 $0x0  }
0xa0: {  	s9 =	simm.s32 @!p1 $0x80;
	[sflag:s2] =	ssyncadd.s32 @!p1 $0xFFFFFF80;
	s2 =	simm.s32 @!p1 $0x4600  }
0xa1: {  	[tilespmem:s2], [sflag:$0x8] =	stream.indirect.gather @!p1 [hbm4b:s0+s9], $0x80, s9, s9, $0xb8;
	[tilespmem:$0x1FE80] =	vst v63  }
0xa2: {  	_ =	swait.ge [sflag:s6], $0x4000  }
0xa3: {  	[sflag:s6] =	ssyncset.done $0x0  }
0xa4: {  	s21 =	simm.s32 $0x300;
	s2 =	sadd.s32 s30, s20;
	[sflag:s6] =	ssyncadd.s32 $0xFFFFC000  }
0xa5: {  	[spmem:s3] =	stream.indirect.scatter.add.f32 [tilespmem:s29], [sflag:$0xA], $0x80, s21, s22, $0xb8;
	[tilespmem:$0x1FE80] =	vst v63  }
0xa6: {  	s21 =	sadd.s32 $0x60, s2  }
0xa7: {  	[tilespmem:s7], [sflag:$0x4] =	stream.linear.gather [hbm4b:s21+s4], $0x80, $0x38;
	[tilespmem:$0x1FE80] =	vst v63  }
0xa8: {  	s24 =	sadd.s32 $0x70, s2;
	s21 =	simm.s32 @!p1 $0xC  }
0xa9: {  	[tilespmem:s8], [sflag:$0x4] =	stream.linear.gather [hbm4b:s24+s4], $0x80, $0x38;
	[tilespmem:$0x1FE80] =	vst v63  }
0xaa: {  	_ =	swait.ge @!p1 [sflag:s21], $0x4000  }
0xab: {  	[sflag:s21] =	ssyncset.done @!p1 $0x0  }
0xac: {  	[sflag:s21] =	ssyncadd.s32 @!p1 $0xFFFFC000;
	s21 =	simm.s32 @!p1 $0x3  }
0xad: {  	_ =	swait.ge @!p1 [sflag:s21], $0x80  }
0xae: {  	[sflag:s21] =	ssyncset.done @!p1 $0x0  }
0xaf: {  	[sflag:s21] =	ssyncadd.s32 @!p1 $0xFFFFFF80  }
0xb0: {  	_ =	swait.ge @!p1 [sflag:s21], $0x80  }
0xb1: {  	[sflag:s21] =	ssyncset.done @!p1 $0x0  }
0xb2: {  	s24 =	simm.s32 @!p1 $0x8600;
	[sflag:s21] =	ssyncadd.s32 @!p1 $0xFFFFFF80;
	s21 =	simm.s32 @!p1 $0x100  }
0xb3: {  	[tilespmem:s24], [sflag:$0x9] =	stream.indirect.gather @!p1 [hbm4b:s0+s9], $0x80, s21, s9, $0xb8;
	[tilespmem:$0x1FE80] =	vst v63  }
0xb4: {  	_ =	swait.ge [sflag:s10], $0x4000  }
0xb5: {  	[sflag:s10] =	ssyncset.done $0x0  }
0xb6: {  	[sflag:s10] =	ssyncadd.s32 $0xFFFFC000  }
0xb7: {  	[spmem:s3] =	stream.indirect.scatter.add.f32 [tilespmem:s31], [sflag:$0xB], $0x80, s23, s22, $0xb8;
	[tilespmem:$0x1FE80] =	vst v63  }
0xb8: {  	s21 =	sadd.s32 $0x80, s2  }
0xb9: {  	[tilespmem:s11], [sflag:$0x5] =	stream.linear.gather [hbm4b:s21+s4], $0x80, $0x38;
	[tilespmem:$0x1FE80] =	vst v63  }
0xba: {  	s24 =	sadd.s32 $0x90, s2  }
0xbb: {  	[tilespmem:s12], [sflag:$0x5] =	stream.linear.gather [hbm4b:s24+s4], $0x80, $0x38;
	[tilespmem:$0x1FE80] =	vst v63  }
0xbc: {  	_ =	swait.ge [sflag:s1], $0x4000  }
0xbd: {  	[sflag:s1] =	ssyncset.done $0x0  }
0xbe: {  	[sflag:s1] =	ssyncadd.s32 $0xFFFFC000  }
0xbf: {  	_ =	swait.ge [sflag:s13], $0x80  }
0xc0: {  	[sflag:s13] =	ssyncset.done $0x0  }
0xc1: {  	[sflag:s13] =	ssyncadd.s32 $0xFFFFFF80  }
0xc2: {  	_ =	swait.ge [sflag:s13], $0x80  }
0xc3: {  	[sflag:s13] =	ssyncset.done $0x0  }
0xc4: {  	[sflag:s13] =	ssyncadd.s32 $0xFFFFFF80  }
0xc5: {  	[tilespmem:s29], [sflag:$0x7] =	stream.indirect.gather [hbm4b:s0+s22], $0x80, s7, s22, $0xb8;
	[tilespmem:$0x1FE80] =	vst v63  }
0xc6: {  	_ =	swait.ge [sflag:s14], $0x4000  }
0xc7: {  	[sflag:s14] =	ssyncset.done $0x0  }
0xc8: {  	[sflag:s14] =	ssyncadd.s32 $0xFFFFC000  }
0xc9: {  	[spmem:s3] =	stream.indirect.scatter.add.f32 [tilespmem:s26], [sflag:$0xC], $0x80, s25, s22, $0xb8;
	[tilespmem:$0x1FE80] =	vst v63  }
0xca: {  	s21 =	sadd.s32 $0xA0, s2  }
0xcb: {  	[tilespmem:s15], [sflag:$0x6] =	stream.linear.gather [hbm4b:s21+s4], $0x80, $0x38;
	[tilespmem:$0x1FE80] =	vst v63  }
0xcc: {  	s24 =	sadd.s32 $0xB0, s2  }
0xcd: {  	[tilespmem:s16], [sflag:$0x6] =	stream.linear.gather [hbm4b:s24+s4], $0x80, $0x38;
	[tilespmem:$0x1FE80] =	vst v63  }
0xce: {  	_ =	swait.ge [sflag:s17], $0x4000  }
0xcf: {  	[sflag:s17] =	ssyncset.done $0x0  }
0xd0: {  	[sflag:s17] =	ssyncadd.s32 $0xFFFFC000  }
0xd1: {  	_ =	swait.ge [sflag:s18], $0x80  }
0xd2: {  	[sflag:s18] =	ssyncset.done $0x0  }
0xd3: {  	[sflag:s18] =	ssyncadd.s32 $0xFFFFFF80  }
0xd4: {  	_ =	swait.ge [sflag:s18], $0x80  }
0xd5: {  	[sflag:s18] =	ssyncset.done $0x0  }
0xd6: {  	[sflag:s18] =	ssyncadd.s32 $0xFFFFFF80  }
0xd7: {  	[tilespmem:s31], [sflag:$0x8] =	stream.indirect.gather [hbm4b:s0+s22], $0x80, s11, s22, $0xb8;
	[tilespmem:$0x1FE80] =	vst v63  }
0xd8: {  	_ =	swait.ge [sflag:s6], $0x4000  }
0xd9: {  	p1 =	seq.s32 s30, $0x900;
	[sflag:s6] =	ssyncset.done $0x0  }
0xda: {  	s9 =	sadd.s32 @!p1 s30, s20;
	[sflag:s6] =	ssyncadd.s32 $0xFFFFC000  }
0xdb: {  	[spmem:s3] =	stream.indirect.scatter.add.f32 [tilespmem:s29], [sflag:$0xA], $0x80, s8, s22, $0xb8;
	[tilespmem:$0x1FE80] =	vst v63  }
0xdc: {  	s21 =	sadd.s32 @!p1 $0xC0, s9;
	s24 =	simm.s32 @!p1 $0x0  }
0xdd: {  	[tilespmem:s24], [sflag:$0x1] =	stream.linear.gather @!p1 [hbm4b:s21+s24], $0x80, $0x38;
	[tilespmem:$0x1FE80] =	vst v63  }
0xde: {  	s9 =	sadd.s32 @!p1 $0xD0, s9;
	s21 =	simm.s32 @!p1 $0x300  }
0xdf: {  	[tilespmem:s21], [sflag:$0x1] =	stream.linear.gather @!p1 [hbm4b:s9+s24], $0x80, $0x38;
	[tilespmem:$0x1FE80] =	vst v63  }
0xe0: {  	_ =	swait.ge [sflag:s19], $0x4000  }
0xe1: {  	[sflag:s19] =	ssyncset.done $0x0  }
0xe2: {  	[sflag:s19] =	ssyncadd.s32 $0xFFFFC000  }
0xe3: {  	_ =	swait.ge [sflag:s5], $0x80  }
0xe4: {  	[sflag:s5] =	ssyncset.done $0x0  }
0xe5: {  	[sflag:s5] =	ssyncadd.s32 $0xFFFFFF80  }
0xe6: {  	_ =	swait.ge [sflag:s5], $0x80  }
0xe7: {  	[sflag:s5] =	ssyncset.done $0x0  }
0xe8: {  	[sflag:s5] =	ssyncadd.s32 $0xFFFFFF80  }
0xe9: {  	[tilespmem:s26], [sflag:$0x9] =	stream.indirect.gather [hbm4b:s0+s22], $0x80, s15, s22, $0xb8;
	[tilespmem:$0x1FE80] =	vst v63  }
.Ltmp3:
0xea: {  	_ = 	snop;
	(pc) =	sbr.rel @p1 .LBB2_6-.Ltmp3, $4  }
0xeb: {  	_ =	swait.ge [sflag:s10], $0x4000  }
0xec: {  	[sflag:s10] =	ssyncset.done $0x0  }
0xed: {  	[sflag:s10] =	ssyncadd.s32 $0xFFFFC000  }
0xee: {  	[spmem:s3] =	stream.indirect.scatter.add.f32 [tilespmem:s31], [sflag:$0xB], $0x80, s12, s22, $0xb8;
	[tilespmem:$0x1FE80] =	vst v63  }
0xef: {  	s9 =	sadd.s32 $0xE0, s2  }
0xf0: {  	[tilespmem:s22], [sflag:$0x2] =	stream.linear.gather [hbm4b:s9+s4], $0x80, $0x38;
	[tilespmem:$0x1FE80] =	vst v63  }
0xf1: {  	s21 =	sadd.s32 $0xF0, s2  }
0xf2: {  	[tilespmem:s23], [sflag:$0x2] =	stream.linear.gather [hbm4b:s21+s4], $0x80, $0x38;
	[tilespmem:$0x1FE80] =	vst v63  }
0xf3: {  	_ =	swait.ge [sflag:s1], $0x4000  }
0xf4: {  	[sflag:s1] =	ssyncset.done $0x0  }
0xf5: {  	[sflag:s1] =	ssyncadd.s32 $0xFFFFC000  }
0xf6: {  	_ =	swait.ge [sflag:s28], $0x80  }
0xf7: {  	[sflag:s28] =	ssyncset.done $0x0  }
0xf8: {  	[sflag:s28] =	ssyncadd.s32 $0xFFFFFF80  }
0xf9: {  	_ =	swait.ge [sflag:s28], $0x80  }
0xfa: {  	[sflag:s28] =	ssyncset.done $0x0  }
0xfb: {  	[sflag:s28] =	ssyncadd.s32 $0xFFFFFF80  }
0xfc: {  	[tilespmem:s29], [sflag:$0x7] =	stream.indirect.gather [hbm4b:s0+s22], $0x80, s4, s22, $0xb8;
	[tilespmem:$0x1FE80] =	vst v63  }
0xfd: {  	_ =	swait.ge [sflag:s14], $0x4000  }
0xfe: {  	[sflag:s14] =	ssyncset.done $0x0  }
0xff: {  	[sflag:s14] =	ssyncadd.s32 $0xFFFFC000  }
0x100: {  	[spmem:s3] =	stream.indirect.scatter.add.f32 [tilespmem:s26], [sflag:$0xC], $0x80, s16, s22, $0xb8;
	[tilespmem:$0x1FE80] =	vst v63  }
.Ltmp4:
0x101: {  	_ = 	snop;
	(pc) =	sbr.rel .LBB2_4-.Ltmp4, $4  }
0x102: {  	s24 =	sadd.s32 $0x100, s2;
	s21 =	simm.s32 $0x100  }
0x103: {  	[tilespmem:s21], [sflag:$0x3] =	stream.linear.gather [hbm4b:s24+s4], $0x80, $0x38;
	[tilespmem:$0x1FE80] =	vst v63  }
0x104: {  	s30 =	sadd.s32 $0xC0, s30;
	s24 =	sadd.s32 $0x110, s2  }
0x105: {  	[tilespmem:s25], [sflag:$0x3] =	stream.linear.gather [hbm4b:s24+s4], $0x80, $0x38;
	[tilespmem:$0x1FE80] =	vst v63  }
.LBB2_7:
0x106: {  	_ =	sfence.sel $0x180000  }
0x107: {  	[bflag:$0x0] =	sbarrier.arrive $0xFFFF  }
0x108: {  	_ =	strace $0x90000047  }
0x109: {  	s0 =	stileid.u32;
	[bflag:$0x2] =	sbarrier.arrive $0xFFFF  }
0x10a: {  	p0 =	sne.s32 s0, $0x0;
	s0 =	rddreg [dreg:$0x4]  }
0x10b: {  	s0 =	sadd.s32 @!p0 $0x100000, s0  }
0x10c: {  	[sflag:s0] =	ssyncadd.tile.s32 @!p0 $0x1;
	_ =	shalt  }
.Lfunc_end2:
_tile_overlayer_lowered:
.L_overlay_start_2:
0x10d: {  	(tag) =	ssettag $0x2  }
0x10e: {  	s0 =	rddreg [dreg:$0x0];
	s2 =	stileid.u32  }
0x10f: {  	s1 =	rddreg [dreg:$0x1];
	p0 =	sne.s32 s2, $0x0  }
0x110: {  	s3 =	rddreg [dreg:$0x2];
	[bflag:$0x3] =	sbarrier.arrive $0xFFFF;
	s2 =	simm.s32 @!p0 $0x1C0D  }
0x111: {  	[timem:s3], [sflag:s2] =	dma.local @!p0 [hbm:s0], s1  }
0x112: {  	s0 =	simm.s32 @!p0 $0xD  }
0x113: {  	_ =	swait.ge @!p0 [sflag:s0], s1  }
0x114: {  	s1 =	ssub.s32 @!p0 $0x0, s1;
	[sflag:s0] =	ssyncset.done @!p0 $0x0  }
0x115: {  	[sflag:s0] =	ssyncadd.s32 @!p0 s1  }
0x116: {  	[bflag:$0x3] =	sbarrier.arrive $0xFFFF  }
0x117: {  	_ =	shalt  }

</sc_bundles>
